<compile_context>
chip_gen: v7x
topology: tpu7x:2x2x1
jax: 0.10.2.dev20260603
libtpu: 0.0.44.dev20260713+nightly
codegen_flags: <defaults>
</compile_context>

<pallas_src>
import functools

import jax
import jax.numpy as jnp
from jax import lax
from jax.experimental import pallas as pl
from jax.experimental.pallas import tpu as pltpu
from jax.experimental.pallas import tpu_sc as plsc

B, S, D = 4, 8192, 768
NC, NS, L = 2, 16, 16
NW = NC * NS
S_PER_W = S // NW
CHS = 32
CW = CHS * D
NCH = S_PER_W // CHS
NXB = 3


def _sc_body(x_hbm, pos_hbm, out_hbm, pb0, pb1, xb0, xb1, xb2,
             sp0, sp1, sx0, sx1, sx2, so0, so1, so2):
    c = lax.axis_index("c")
    s = lax.axis_index("s")
    wid = s * NC + c
    s0 = wid * S_PER_W

    pbufs = ((pb0, sp0), (pb1, sp1))
    xbufs = ((xb0, sx0, so0), (xb1, sx1, so1), (xb2, sx2, so2))

    def pos_off(i):
        return (s0 + i * CHS) * D

    def x_off(i, b):
        return b * S * D + (s0 + i * CHS) * D

    NSEG = NCH * B

    def in_copy(k):
        i, b = divmod(k, B)
        xb, sx, _ = xbufs[k % NXB]
        return pltpu.async_copy(x_hbm.at[pl.ds(x_off(i, b), CW)], xb, sx)

    pos_h = [None] * NCH
    for i in range(min(2, NCH)):
        pb, sp = pbufs[i % 2]
        pos_h[i] = pltpu.async_copy(pos_hbm.at[pl.ds(pos_off(i), CW)], pb, sp)
    in_h = {0: in_copy(0), 1: in_copy(1)}

    out_h = {}
    for k in range(NSEG):
        i, b = divmod(k, B)
        xb, _, so = xbufs[k % NXB]
        pb, _ = pbufs[i % 2]
        if b == 0:
            pos_h[i].wait()
        in_h[k].wait()

        pass

        out_h[k] = pltpu.async_copy(xb, out_hbm.at[pl.ds(x_off(i, b), CW)], so)
        if k + 2 < NSEG:
            if k - 1 >= 0:
                out_h[k - 1].wait()
            in_h[k + 2] = in_copy(k + 2)
        if b == B - 1 and i + 2 < NCH:
            pb2, sp2 = pbufs[i % 2]
            pos_h[i + 2] = pltpu.async_copy(
                pos_hbm.at[pl.ds(pos_off(i + 2), CW)], pb2, sp2)

    for k in (NSEG - 3, NSEG - 2, NSEG - 1):
        out_h[k].wait()


@jax.jit
def _sc_add(x_flat, pos_flat):
    mesh = plsc.VectorSubcoreMesh(
        core_axis_name="c", subcore_axis_name="s", num_cores=NC, num_subcores=NS
    )
    return pl.kernel(
        _sc_body,
        out_type=jax.ShapeDtypeStruct((B * S * D,), jnp.float32),
        mesh=mesh,
        scratch_types=(
            [pltpu.VMEM((CW,), jnp.float32) for _ in range(2 + NXB)]
            + [pltpu.SemaphoreType.DMA for _ in range(2 + 2 * NXB)]
        ),
    )(x_flat, pos_flat)


def kernel(x, pos_emb):
    out_flat = _sc_add(x.reshape(-1), pos_emb.reshape(-1))
    return out_flat.reshape(x.shape)

# --- scband reference (transcript-rebuilt; emitter-appended) ---
"""Pipeline reference for scband-position-encoding-42949672961 (READ-ONLY COPY).

The authoritative reference and input builder live on the scoring server;
editing this copy changes nothing except your own understanding.
"""

import jax, jax.numpy as jnp
import numpy as np

MAXLEN = 8192
MODEL_SIZE = 768

def setup_inputs(seed: int = 0) -> dict:
    key = jax.random.key(seed)
    k1, k2 = jax.random.split(key)
    x = jax.random.normal(k1, (4, MAXLEN, MODEL_SIZE), dtype=jnp.float32)
    # Embedding table for positions, sized per init_kwargs (maxlen, model_size).
    # Keras Embedding default init is uniform(-0.05, 0.05).
    pos_emb = jax.random.uniform(k2, (MAXLEN, MODEL_SIZE), dtype=jnp.float32, minval=-0.05, maxval=0.05)
    return {"x": x, "pos_emb": pos_emb}

def reference(x, pos_emb):
    positions = jnp.arange(0, MAXLEN, 1)
    pos = jnp.take(pos_emb, positions, axis=0)  # embedding lookup: [maxlen, model_size]
    return x + pos  # broadcast add over batch

if __name__ == "__main__":
    import jax
    _d = setup_inputs()
    print(jax.jit(kernel)(*tuple(_d.values())))

</pallas_src>

<mosaic_0001>
#map = affine_map<(d0, d1) -> (0)>
module attributes {stable_mosaic.version = 14 : i64} {
  func.func @_sc_body(%arg0: i32, %arg1: i32, %arg2: memref<25165824xf32, #tpu.memory_space<hbm>>, %arg3: memref<6291456xf32, #tpu.memory_space<hbm>>, %arg4: memref<25165824xf32, #tpu.memory_space<hbm>>, %arg5: memref<24576xf32, #tpu.memory_space<vmem>>, %arg6: memref<24576xf32, #tpu.memory_space<vmem>>, %arg7: memref<24576xf32, #tpu.memory_space<vmem>>, %arg8: memref<24576xf32, #tpu.memory_space<vmem>>, %arg9: memref<24576xf32, #tpu.memory_space<vmem>>, %arg10: memref<!tpu.dma_semaphore, #tpu.memory_space<semaphore_mem>>, %arg11: memref<!tpu.dma_semaphore, #tpu.memory_space<semaphore_mem>>, %arg12: memref<!tpu.dma_semaphore, #tpu.memory_space<semaphore_mem>>, %arg13: memref<!tpu.dma_semaphore, #tpu.memory_space<semaphore_mem>>, %arg14: memref<!tpu.dma_semaphore, #tpu.memory_space<semaphore_mem>>, %arg15: memref<!tpu.dma_semaphore, #tpu.memory_space<semaphore_mem>>, %arg16: memref<!tpu.dma_semaphore, #tpu.memory_space<semaphore_mem>>, %arg17: memref<!tpu.dma_semaphore, #tpu.memory_space<semaphore_mem>>) attributes {dimension_semantics = [#tpu.dimension_semantics<core_parallel>, #tpu.dimension_semantics<subcore_parallel>], iteration_bounds = array<i64: 2, 16>, scalar_prefetch = 0 : i64, scratch_operands = 13 : i64, tpu.core_type = #tpu.core_type<sc_vector_subcore>, window_params = [{transform_indices = #map}, {transform_indices = #map}, {transform_indices = #map}]} {
    %mul3A = arith.constant 2 : i32
    %mul3A_0 = arith.muli %arg1, %mul3A : i32
    %add3A = arith.addi %mul3A_0, %arg0 : i32
    %mul3A_1 = arith.constant 256 : i32
    %mul3A_2 = arith.muli %add3A, %mul3A_1 : i32
    %add3A_3 = arith.constant 0 : i32
    %add3A_4 = arith.addi %mul3A_2, %add3A_3 : i32
    %mul3A_5 = arith.constant 768 : i32
    %mul3A_6 = arith.muli %add3A_4, %mul3A_5 : i32
    %dma_start3A = tpu.memref_slice %arg3[%mul3A_6] : memref<6291456xf32, #tpu.memory_space<hbm>> -> memref<24576xf32, #tpu.memory_space<hbm>>
    %dma_start3A_7 = tpu.memref_slice %arg3[%mul3A_6] : memref<6291456xf32, #tpu.memory_space<hbm>> -> memref<24576xf32, #tpu.memory_space<hbm>>
    tpu.enqueue_dma source(%dma_start3A_7 : memref<24576xf32, #tpu.memory_space<hbm>>) target(%arg5 : memref<24576xf32, #tpu.memory_space<vmem>>) target_semaphore(%arg10 : memref<!tpu.dma_semaphore, #tpu.memory_space<semaphore_mem>>)
    %add3A_8 = arith.constant 32 : i32
    %add3A_9 = arith.addi %mul3A_2, %add3A_8 : i32
    %mul3A_10 = arith.constant 768 : i32
    %mul3A_11 = arith.muli %add3A_9, %mul3A_10 : i32
    %dma_start3A_12 = tpu.memref_slice %arg3[%mul3A_11] : memref<6291456xf32, #tpu.memory_space<hbm>> -> memref<24576xf32, #tpu.memory_space<hbm>>
    %dma_start3A_13 = tpu.memref_slice %arg3[%mul3A_11] : memref<6291456xf32, #tpu.memory_space<hbm>> -> memref<24576xf32, #tpu.memory_space<hbm>>
    tpu.enqueue_dma source(%dma_start3A_13 : memref<24576xf32, #tpu.memory_space<hbm>>) target(%arg6 : memref<24576xf32, #tpu.memory_space<vmem>>) target_semaphore(%arg11 : memref<!tpu.dma_semaphore, #tpu.memory_space<semaphore_mem>>)
    %add3A_14 = arith.constant 0 : i32
    %add3A_15 = arith.addi %mul3A_2, %add3A_14 : i32
    %mul3A_16 = arith.constant 768 : i32
    %mul3A_17 = arith.muli %add3A_15, %mul3A_16 : i32
    %add3A_18 = arith.constant 0 : i32
    %add3A_19 = arith.addi %add3A_18, %mul3A_17 : i32
    %dma_start3A_20 = tpu.memref_slice %arg2[%add3A_19] : memref<25165824xf32, #tpu.memory_space<hbm>> -> memref<24576xf32, #tpu.memory_space<hbm>>
    %dma_start3A_21 = tpu.memref_slice %arg2[%add3A_19] : memref<25165824xf32, #tpu.memory_space<hbm>> -> memref<24576xf32, #tpu.memory_space<hbm>>
    tpu.enqueue_dma source(%dma_start3A_21 : memref<24576xf32, #tpu.memory_space<hbm>>) target(%arg7 : memref<24576xf32, #tpu.memory_space<vmem>>) target_semaphore(%arg12 : memref<!tpu.dma_semaphore, #tpu.memory_space<semaphore_mem>>)
    %add3A_22 = arith.constant 0 : i32
    %add3A_23 = arith.addi %mul3A_2, %add3A_22 : i32
    %mul3A_24 = arith.constant 768 : i32
    %mul3A_25 = arith.muli %add3A_23, %mul3A_24 : i32
    %add3A_26 = arith.constant 6291456 : i32
    %add3A_27 = arith.addi %add3A_26, %mul3A_25 : i32
    %dma_start3A_28 = tpu.memref_slice %arg2[%add3A_27] : memref<25165824xf32, #tpu.memory_space<hbm>> -> memref<24576xf32, #tpu.memory_space<hbm>>
    %dma_start3A_29 = tpu.memref_slice %arg2[%add3A_27] : memref<25165824xf32, #tpu.memory_space<hbm>> -> memref<24576xf32, #tpu.memory_space<hbm>>
    tpu.enqueue_dma source(%dma_start3A_29 : memref<24576xf32, #tpu.memory_space<hbm>>) target(%arg8 : memref<24576xf32, #tpu.memory_space<vmem>>) target_semaphore(%arg13 : memref<!tpu.dma_semaphore, #tpu.memory_space<semaphore_mem>>)
    %dma_wait3A = tpu.memref_slice %arg3[%mul3A_6] : memref<6291456xf32, #tpu.memory_space<hbm>> -> memref<24576xf32, #tpu.memory_space<hbm>>
    %dma_wait3A_30 = tpu.memref_slice %arg3[%mul3A_6] : memref<6291456xf32, #tpu.memory_space<hbm>> -> memref<24576xf32, #tpu.memory_space<hbm>>
    tpu.wait_dma2 semaphore(%arg10 : memref<!tpu.dma_semaphore, #tpu.memory_space<semaphore_mem>>) src(%dma_wait3A_30 : memref<24576xf32, #tpu.memory_space<hbm>>) dst(%arg5 : memref<24576xf32, #tpu.memory_space<vmem>>)
    %dma_wait3A_31 = tpu.memref_slice %arg2[%add3A_19] : memref<25165824xf32, #tpu.memory_space<hbm>> -> memref<24576xf32, #tpu.memory_space<hbm>>
    %dma_wait3A_32 = tpu.memref_slice %arg2[%add3A_19] : memref<25165824xf32, #tpu.memory_space<hbm>> -> memref<24576xf32, #tpu.memory_space<hbm>>
    tpu.wait_dma2 semaphore(%arg12 : memref<!tpu.dma_semaphore, #tpu.memory_space<semaphore_mem>>) src(%dma_wait3A_32 : memref<24576xf32, #tpu.memory_space<hbm>>) dst(%arg7 : memref<24576xf32, #tpu.memory_space<vmem>>)
    %add3A_33 = arith.constant 0 : i32
    %add3A_34 = arith.addi %mul3A_2, %add3A_33 : i32
    %mul3A_35 = arith.constant 768 : i32
    %mul3A_36 = arith.muli %add3A_34, %mul3A_35 : i32
    %add3A_37 = arith.constant 0 : i32
    %add3A_38 = arith.addi %add3A_37, %mul3A_36 : i32
    %dma_start3A_39 = tpu.memref_slice %arg4[%add3A_38] : memref<25165824xf32, #tpu.memory_space<hbm>> -> memref<24576xf32, #tpu.memory_space<hbm>>
    %dma_start3A_40 = tpu.memref_slice %arg4[%add3A_38] : memref<25165824xf32, #tpu.memory_space<hbm>> -> memref<24576xf32, #tpu.memory_space<hbm>>
    tpu.enqueue_dma source(%arg7 : memref<24576xf32, #tpu.memory_space<vmem>>) target(%dma_start3A_40 : memref<24576xf32, #tpu.memory_space<hbm>>) target_semaphore(%arg15 : memref<!tpu.dma_semaphore, #tpu.memory_space<semaphore_mem>>)
    %add3A_41 = arith.constant 0 : i32
    %add3A_42 = arith.addi %mul3A_2, %add3A_41 : i32
    %mul3A_43 = arith.constant 768 : i32
    %mul3A_44 = arith.muli %add3A_42, %mul3A_43 : i32
    %add3A_45 = arith.constant 12582912 : i32
    %add3A_46 = arith.addi %add3A_45, %mul3A_44 : i32
    %dma_start3A_47 = tpu.memref_slice %arg2[%add3A_46] : memref<25165824xf32, #tpu.memory_space<hbm>> -> memref<24576xf32, #tpu.memory_space<hbm>>
    %dma_start3A_48 = tpu.memref_slice %arg2[%add3A_46] : memref<25165824xf32, #tpu.memory_space<hbm>> -> memref<24576xf32, #tpu.memory_space<hbm>>
    tpu.enqueue_dma source(%dma_start3A_48 : memref<24576xf32, #tpu.memory_space<hbm>>) target(%arg9 : memref<24576xf32, #tpu.memory_space<vmem>>) target_semaphore(%arg14 : memref<!tpu.dma_semaphore, #tpu.memory_space<semaphore_mem>>)
    %dma_wait3A_49 = tpu.memref_slice %arg2[%add3A_27] : memref<25165824xf32, #tpu.memory_space<hbm>> -> memref<24576xf32, #tpu.memory_space<hbm>>
    %dma_wait3A_50 = tpu.memref_slice %arg2[%add3A_27] : memref<25165824xf32, #tpu.memory_space<hbm>> -> memref<24576xf32, #tpu.memory_space<hbm>>
    tpu.wait_dma2 semaphore(%arg13 : memref<!tpu.dma_semaphore, #tpu.memory_space<semaphore_mem>>) src(%dma_wait3A_50 : memref<24576xf32, #tpu.memory_space<hbm>>) dst(%arg8 : memref<24576xf32, #tpu.memory_space<vmem>>)
    %add3A_51 = arith.constant 0 : i32
    %add3A_52 = arith.addi %mul3A_2, %add3A_51 : i32
    %mul3A_53 = arith.constant 768 : i32
    %mul3A_54 = arith.muli %add3A_52, %mul3A_53 : i32
    %add3A_55 = arith.constant 6291456 : i32
    %add3A_56 = arith.addi %add3A_55, %mul3A_54 : i32
    %dma_start3A_57 = tpu.memref_slice %arg4[%add3A_56] : memref<25165824xf32, #tpu.memory_space<hbm>> -> memref<24576xf32, #tpu.memory_space<hbm>>
    %dma_start3A_58 = tpu.memref_slice %arg4[%add3A_56] : memref<25165824xf32, #tpu.memory_space<hbm>> -> memref<24576xf32, #tpu.memory_space<hbm>>
    tpu.enqueue_dma source(%arg8 : memref<24576xf32, #tpu.memory_space<vmem>>) target(%dma_start3A_58 : memref<24576xf32, #tpu.memory_space<hbm>>) target_semaphore(%arg16 : memref<!tpu.dma_semaphore, #tpu.memory_space<semaphore_mem>>)
    %dma_wait3A_59 = tpu.memref_slice %arg4[%add3A_38] : memref<25165824xf32, #tpu.memory_space<hbm>> -> memref<24576xf32, #tpu.memory_space<hbm>>
    %dma_wait3A_60 = tpu.memref_slice %arg4[%add3A_38] : memref<25165824xf32, #tpu.memory_space<hbm>> -> memref<24576xf32, #tpu.memory_space<hbm>>
    tpu.wait_dma2 semaphore(%arg15 : memref<!tpu.dma_semaphore, #tpu.memory_space<semaphore_mem>>) src(%arg7 : memref<24576xf32, #tpu.memory_space<vmem>>) dst(%dma_wait3A_60 : memref<24576xf32, #tpu.memory_space<hbm>>)
    %add3A_61 = arith.constant 0 : i32
    %add3A_62 = arith.addi %mul3A_2, %add3A_61 : i32
    %mul3A_63 = arith.constant 768 : i32
    %mul3A_64 = arith.muli %add3A_62, %mul3A_63 : i32
    %add3A_65 = arith.constant 18874368 : i32
    %add3A_66 = arith.addi %add3A_65, %mul3A_64 : i32
    %dma_start3A_67 = tpu.memref_slice %arg2[%add3A_66] : memref<25165824xf32, #tpu.memory_space<hbm>> -> memref<24576xf32, #tpu.memory_space<hbm>>
    %dma_start3A_68 = tpu.memref_slice %arg2[%add3A_66] : memref<25165824xf32, #tpu.memory_space<hbm>> -> memref<24576xf32, #tpu.memory_space<hbm>>
    tpu.enqueue_dma source(%dma_start3A_68 : memref<24576xf32, #tpu.memory_space<hbm>>) target(%arg7 : memref<24576xf32, #tpu.memory_space<vmem>>) target_semaphore(%arg12 : memref<!tpu.dma_semaphore, #tpu.memory_space<semaphore_mem>>)
    %dma_wait3A_69 = tpu.memref_slice %arg2[%add3A_46] : memref<25165824xf32, #tpu.memory_space<hbm>> -> memref<24576xf32, #tpu.memory_space<hbm>>
    %dma_wait3A_70 = tpu.memref_slice %arg2[%add3A_46] : memref<25165824xf32, #tpu.memory_space<hbm>> -> memref<24576xf32, #tpu.memory_space<hbm>>
    tpu.wait_dma2 semaphore(%arg14 : memref<!tpu.dma_semaphore, #tpu.memory_space<semaphore_mem>>) src(%dma_wait3A_70 : memref<24576xf32, #tpu.memory_space<hbm>>) dst(%arg9 : memref<24576xf32, #tpu.memory_space<vmem>>)
    %add3A_71 = arith.constant 0 : i32
    %add3A_72 = arith.addi %mul3A_2, %add3A_71 : i32
    %mul3A_73 = arith.constant 768 : i32
    %mul3A_74 = arith.muli %add3A_72, %mul3A_73 : i32
    %add3A_75 = arith.constant 12582912 : i32
    %add3A_76 = arith.addi %add3A_75, %mul3A_74 : i32
    %dma_start3A_77 = tpu.memref_slice %arg4[%add3A_76] : memref<25165824xf32, #tpu.memory_space<hbm>> -> memref<24576xf32, #tpu.memory_space<hbm>>
    %dma_start3A_78 = tpu.memref_slice %arg4[%add3A_76] : memref<25165824xf32, #tpu.memory_space<hbm>> -> memref<24576xf32, #tpu.memory_space<hbm>>
    tpu.enqueue_dma source(%arg9 : memref<24576xf32, #tpu.memory_space<vmem>>) target(%dma_start3A_78 : memref<24576xf32, #tpu.memory_space<hbm>>) target_semaphore(%arg17 : memref<!tpu.dma_semaphore, #tpu.memory_space<semaphore_mem>>)
    %dma_wait3A_79 = tpu.memref_slice %arg4[%add3A_56] : memref<25165824xf32, #tpu.memory_space<hbm>> -> memref<24576xf32, #tpu.memory_space<hbm>>
    %dma_wait3A_80 = tpu.memref_slice %arg4[%add3A_56] : memref<25165824xf32, #tpu.memory_space<hbm>> -> memref<24576xf32, #tpu.memory_space<hbm>>
    tpu.wait_dma2 semaphore(%arg16 : memref<!tpu.dma_semaphore, #tpu.memory_space<semaphore_mem>>) src(%arg8 : memref<24576xf32, #tpu.memory_space<vmem>>) dst(%dma_wait3A_80 : memref<24576xf32, #tpu.memory_space<hbm>>)
    %add3A_81 = arith.constant 32 : i32
    %add3A_82 = arith.addi %mul3A_2, %add3A_81 : i32
    %mul3A_83 = arith.constant 768 : i32
    %mul3A_84 = arith.muli %add3A_82, %mul3A_83 : i32
    %add3A_85 = arith.constant 0 : i32
    %add3A_86 = arith.addi %add3A_85, %mul3A_84 : i32
    %dma_start3A_87 = tpu.memref_slice %arg2[%add3A_86] : memref<25165824xf32, #tpu.memory_space<hbm>> -> memref<24576xf32, #tpu.memory_space<hbm>>
    %dma_start3A_88 = tpu.memref_slice %arg2[%add3A_86] : memref<25165824xf32, #tpu.memory_space<hbm>> -> memref<24576xf32, #tpu.memory_space<hbm>>
    tpu.enqueue_dma source(%dma_start3A_88 : memref<24576xf32, #tpu.memory_space<hbm>>) target(%arg8 : memref<24576xf32, #tpu.memory_space<vmem>>) target_semaphore(%arg13 : memref<!tpu.dma_semaphore, #tpu.memory_space<semaphore_mem>>)
    %dma_wait3A_89 = tpu.memref_slice %arg2[%add3A_66] : memref<25165824xf32, #tpu.memory_space<hbm>> -> memref<24576xf32, #tpu.memory_space<hbm>>
    %dma_wait3A_90 = tpu.memref_slice %arg2[%add3A_66] : memref<25165824xf32, #tpu.memory_space<hbm>> -> memref<24576xf32, #tpu.memory_space<hbm>>
    tpu.wait_dma2 semaphore(%arg12 : memref<!tpu.dma_semaphore, #tpu.memory_space<semaphore_mem>>) src(%dma_wait3A_90 : memref<24576xf32, #tpu.memory_space<hbm>>) dst(%arg7 : memref<24576xf32, #tpu.memory_space<vmem>>)
    %add3A_91 = arith.constant 0 : i32
    %add3A_92 = arith.addi %mul3A_2, %add3A_91 : i32
    %mul3A_93 = arith.constant 768 : i32
    %mul3A_94 = arith.muli %add3A_92, %mul3A_93 : i32
    %add3A_95 = arith.constant 18874368 : i32
    %add3A_96 = arith.addi %add3A_95, %mul3A_94 : i32
    %dma_start3A_97 = tpu.memref_slice %arg4[%add3A_96] : memref<25165824xf32, #tpu.memory_space<hbm>> -> memref<24576xf32, #tpu.memory_space<hbm>>
    %dma_start3A_98 = tpu.memref_slice %arg4[%add3A_96] : memref<25165824xf32, #tpu.memory_space<hbm>> -> memref<24576xf32, #tpu.memory_space<hbm>>
    tpu.enqueue_dma source(%arg7 : memref<24576xf32, #tpu.memory_space<vmem>>) target(%dma_start3A_98 : memref<24576xf32, #tpu.memory_space<hbm>>) target_semaphore(%arg15 : memref<!tpu.dma_semaphore, #tpu.memory_space<semaphore_mem>>)
    %dma_wait3A_99 = tpu.memref_slice %arg4[%add3A_76] : memref<25165824xf32, #tpu.memory_space<hbm>> -> memref<24576xf32, #tpu.memory_space<hbm>>
    %dma_wait3A_100 = tpu.memref_slice %arg4[%add3A_76] : memref<25165824xf32, #tpu.memory_space<hbm>> -> memref<24576xf32, #tpu.memory_space<hbm>>
    tpu.wait_dma2 semaphore(%arg17 : memref<!tpu.dma_semaphore, #tpu.memory_space<semaphore_mem>>) src(%arg9 : memref<24576xf32, #tpu.memory_space<vmem>>) dst(%dma_wait3A_100 : memref<24576xf32, #tpu.memory_space<hbm>>)
    %add3A_101 = arith.constant 32 : i32
    %add3A_102 = arith.addi %mul3A_2, %add3A_101 : i32
    %mul3A_103 = arith.constant 768 : i32
    %mul3A_104 = arith.muli %add3A_102, %mul3A_103 : i32
    %add3A_105 = arith.constant 6291456 : i32
    %add3A_106 = arith.addi %add3A_105, %mul3A_104 : i32
    %dma_start3A_107 = tpu.memref_slice %arg2[%add3A_106] : memref<25165824xf32, #tpu.memory_space<hbm>> -> memref<24576xf32, #tpu.memory_space<hbm>>
    %dma_start3A_108 = tpu.memref_slice %arg2[%add3A_106] : memref<25165824xf32, #tpu.memory_space<hbm>> -> memref<24576xf32, #tpu.memory_space<hbm>>
    tpu.enqueue_dma source(%dma_start3A_108 : memref<24576xf32, #tpu.memory_space<hbm>>) target(%arg9 : memref<24576xf32, #tpu.memory_space<vmem>>) target_semaphore(%arg14 : memref<!tpu.dma_semaphore, #tpu.memory_space<semaphore_mem>>)
    %add3A_109 = arith.constant 64 : i32
    %add3A_110 = arith.addi %mul3A_2, %add3A_109 : i32
    %mul3A_111 = arith.constant 768 : i32
    %mul3A_112 = arith.muli %add3A_110, %mul3A_111 : i32
    %dma_start3A_113 = tpu.memref_slice %arg3[%mul3A_112] : memref<6291456xf32, #tpu.memory_space<hbm>> -> memref<24576xf32, #tpu.memory_space<hbm>>
    %dma_start3A_114 = tpu.memref_slice %arg3[%mul3A_112] : memref<6291456xf32, #tpu.memory_space<hbm>> -> memref<24576xf32, #tpu.memory_space<hbm>>
    tpu.enqueue_dma source(%dma_start3A_114 : memref<24576xf32, #tpu.memory_space<hbm>>) target(%arg5 : memref<24576xf32, #tpu.memory_space<vmem>>) target_semaphore(%arg10 : memref<!tpu.dma_semaphore, #tpu.memory_space<semaphore_mem>>)
    %dma_wait3A_115 = tpu.memref_slice %arg3[%mul3A_11] : memref<6291456xf32, #tpu.memory_space<hbm>> -> memref<24576xf32, #tpu.memory_space<hbm>>
    %dma_wait3A_116 = tpu.memref_slice %arg3[%mul3A_11] : memref<6291456xf32, #tpu.memory_space<hbm>> -> memref<24576xf32, #tpu.memory_space<hbm>>
    tpu.wait_dma2 semaphore(%arg11 : memref<!tpu.dma_semaphore, #tpu.memory_space<semaphore_mem>>) src(%dma_wait3A_116 : memref<24576xf32, #tpu.memory_space<hbm>>) dst(%arg6 : memref<24576xf32, #tpu.memory_space<vmem>>)
    %dma_wait3A_117 = tpu.memref_slice %arg2[%add3A_86] : memref<25165824xf32, #tpu.memory_space<hbm>> -> memref<24576xf32, #tpu.memory_space<hbm>>
    %dma_wait3A_118 = tpu.memref_slice %arg2[%add3A_86] : memref<25165824xf32, #tpu.memory_space<hbm>> -> memref<24576xf32, #tpu.memory_space<hbm>>
    tpu.wait_dma2 semaphore(%arg13 : memref<!tpu.dma_semaphore, #tpu.memory_space<semaphore_mem>>) src(%dma_wait3A_118 : memref<24576xf32, #tpu.memory_space<hbm>>) dst(%arg8 : memref<24576xf32, #tpu.memory_space<vmem>>)
    %add3A_119 = arith.constant 32 : i32
    %add3A_120 = arith.addi %mul3A_2, %add3A_119 : i32
    %mul3A_121 = arith.constant 768 : i32
    %mul3A_122 = arith.muli %add3A_120, %mul3A_121 : i32
    %add3A_123 = arith.constant 0 : i32
    %add3A_124 = arith.addi %add3A_123, %mul3A_122 : i32
    %dma_start3A_125 = tpu.memref_slice %arg4[%add3A_124] : memref<25165824xf32, #tpu.memory_space<hbm>> -> memref<24576xf32, #tpu.memory_space<hbm>>
    %dma_start3A_126 = tpu.memref_slice %arg4[%add3A_124] : memref<25165824xf32, #tpu.memory_space<hbm>> -> memref<24576xf32, #tpu.memory_space<hbm>>
    tpu.enqueue_dma source(%arg8 : memref<24576xf32, #tpu.memory_space<vmem>>) target(%dma_start3A_126 : memref<24576xf32, #tpu.memory_space<hbm>>) target_semaphore(%arg16 : memref<!tpu.dma_semaphore, #tpu.memory_space<semaphore_mem>>)
    %dma_wait3A_127 = tpu.memref_slice %arg4[%add3A_96] : memref<25165824xf32, #tpu.memory_space<hbm>> -> memref<24576xf32, #tpu.memory_space<hbm>>
    %dma_wait3A_128 = tpu.memref_slice %arg4[%add3A_96] : memref<25165824xf32, #tpu.memory_space<hbm>> -> memref<24576xf32, #tpu.memory_space<hbm>>
    tpu.wait_dma2 semaphore(%arg15 : memref<!tpu.dma_semaphore, #tpu.memory_space<semaphore_mem>>) src(%arg7 : memref<24576xf32, #tpu.memory_space<vmem>>) dst(%dma_wait3A_128 : memref<24576xf32, #tpu.memory_space<hbm>>)
    %add3A_129 = arith.constant 32 : i32
    %add3A_130 = arith.addi %mul3A_2, %add3A_129 : i32
    %mul3A_131 = arith.constant 768 : i32
    %mul3A_132 = arith.muli %add3A_130, %mul3A_131 : i32
    %add3A_133 = arith.constant 12582912 : i32
    %add3A_134 = arith.addi %add3A_133, %mul3A_132 : i32
    %dma_start3A_135 = tpu.memref_slice %arg2[%add3A_134] : memref<25165824xf32, #tpu.memory_space<hbm>> -> memref<24576xf32, #tpu.memory_space<hbm>>
    %dma_start3A_136 = tpu.memref_slice %arg2[%add3A_134] : memref<25165824xf32, #tpu.memory_space<hbm>> -> memref<24576xf32, #tpu.memory_space<hbm>>
    tpu.enqueue_dma source(%dma_start3A_136 : memref<24576xf32, #tpu.memory_space<hbm>>) target(%arg7 : memref<24576xf32, #tpu.memory_space<vmem>>) target_semaphore(%arg12 : memref<!tpu.dma_semaphore, #tpu.memory_space<semaphore_mem>>)
    %dma_wait3A_137 = tpu.memref_slice %arg2[%add3A_106] : memref<25165824xf32, #tpu.memory_space<hbm>> -> memref<24576xf32, #tpu.memory_space<hbm>>
    %dma_wait3A_138 = tpu.memref_slice %arg2[%add3A_106] : memref<25165824xf32, #tpu.memory_space<hbm>> -> memref<24576xf32, #tpu.memory_space<hbm>>
    tpu.wait_dma2 semaphore(%arg14 : memref<!tpu.dma_semaphore, #tpu.memory_space<semaphore_mem>>) src(%dma_wait3A_138 : memref<24576xf32, #tpu.memory_space<hbm>>) dst(%arg9 : memref<24576xf32, #tpu.memory_space<vmem>>)
    %add3A_139 = arith.constant 32 : i32
    %add3A_140 = arith.addi %mul3A_2, %add3A_139 : i32
    %mul3A_141 = arith.constant 768 : i32
    %mul3A_142 = arith.muli %add3A_140, %mul3A_141 : i32
    %add3A_143 = arith.constant 6291456 : i32
    %add3A_144 = arith.addi %add3A_143, %mul3A_142 : i32
    %dma_start3A_145 = tpu.memref_slice %arg4[%add3A_144] : memref<25165824xf32, #tpu.memory_space<hbm>> -> memref<24576xf32, #tpu.memory_space<hbm>>
    %dma_start3A_146 = tpu.memref_slice %arg4[%add3A_144] : memref<25165824xf32, #tpu.memory_space<hbm>> -> memref<24576xf32, #tpu.memory_space<hbm>>
    tpu.enqueue_dma source(%arg9 : memref<24576xf32, #tpu.memory_space<vmem>>) target(%dma_start3A_146 : memref<24576xf32, #tpu.memory_space<hbm>>) target_semaphore(%arg17 : memref<!tpu.dma_semaphore, #tpu.memory_space<semaphore_mem>>)
    %dma_wait3A_147 = tpu.memref_slice %arg4[%add3A_124] : memref<25165824xf32, #tpu.memory_space<hbm>> -> memref<24576xf32, #tpu.memory_space<hbm>>
    %dma_wait3A_148 = tpu.memref_slice %arg4[%add3A_124] : memref<25165824xf32, #tpu.memory_space<hbm>> -> memref<24576xf32, #tpu.memory_space<hbm>>
    tpu.wait_dma2 semaphore(%arg16 : memref<!tpu.dma_semaphore, #tpu.memory_space<semaphore_mem>>) src(%arg8 : memref<24576xf32, #tpu.memory_space<vmem>>) dst(%dma_wait3A_148 : memref<24576xf32, #tpu.memory_space<hbm>>)
    %add3A_149 = arith.constant 32 : i32
    %add3A_150 = arith.addi %mul3A_2, %add3A_149 : i32
    %mul3A_151 = arith.constant 768 : i32
    %mul3A_152 = arith.muli %add3A_150, %mul3A_151 : i32
    %add3A_153 = arith.constant 18874368 : i32
    %add3A_154 = arith.addi %add3A_153, %mul3A_152 : i32
    %dma_start3A_155 = tpu.memref_slice %arg2[%add3A_154] : memref<25165824xf32, #tpu.memory_space<hbm>> -> memref<24576xf32, #tpu.memory_space<hbm>>
    %dma_start3A_156 = tpu.memref_slice %arg2[%add3A_154] : memref<25165824xf32, #tpu.memory_space<hbm>> -> memref<24576xf32, #tpu.memory_space<hbm>>
    tpu.enqueue_dma source(%dma_start3A_156 : memref<24576xf32, #tpu.memory_space<hbm>>) target(%arg8 : memref<24576xf32, #tpu.memory_space<vmem>>) target_semaphore(%arg13 : memref<!tpu.dma_semaphore, #tpu.memory_space<semaphore_mem>>)
    %dma_wait3A_157 = tpu.memref_slice %arg2[%add3A_134] : memref<25165824xf32, #tpu.memory_space<hbm>> -> memref<24576xf32, #tpu.memory_space<hbm>>
    %dma_wait3A_158 = tpu.memref_slice %arg2[%add3A_134] : memref<25165824xf32, #tpu.memory_space<hbm>> -> memref<24576xf32, #tpu.memory_space<hbm>>
    tpu.wait_dma2 semaphore(%arg12 : memref<!tpu.dma_semaphore, #tpu.memory_space<semaphore_mem>>) src(%dma_wait3A_158 : memref<24576xf32, #tpu.memory_space<hbm>>) dst(%arg7 : memref<24576xf32, #tpu.memory_space<vmem>>)
    %add3A_159 = arith.constant 32 : i32
    %add3A_160 = arith.addi %mul3A_2, %add3A_159 : i32
    %mul3A_161 = arith.constant 768 : i32
    %mul3A_162 = arith.muli %add3A_160, %mul3A_161 : i32
    %add3A_163 = arith.constant 12582912 : i32
    %add3A_164 = arith.addi %add3A_163, %mul3A_162 : i32
    %dma_start3A_165 = tpu.memref_slice %arg4[%add3A_164] : memref<25165824xf32, #tpu.memory_space<hbm>> -> memref<24576xf32, #tpu.memory_space<hbm>>
    %dma_start3A_166 = tpu.memref_slice %arg4[%add3A_164] : memref<25165824xf32, #tpu.memory_space<hbm>> -> memref<24576xf32, #tpu.memory_space<hbm>>
    tpu.enqueue_dma source(%arg7 : memref<24576xf32, #tpu.memory_space<vmem>>) target(%dma_start3A_166 : memref<24576xf32, #tpu.memory_space<hbm>>) target_semaphore(%arg15 : memref<!tpu.dma_semaphore, #tpu.memory_space<semaphore_mem>>)
    %dma_wait3A_167 = tpu.memref_slice %arg4[%add3A_144] : memref<25165824xf32, #tpu.memory_space<hbm>> -> memref<24576xf32, #tpu.memory_space<hbm>>
    %dma_wait3A_168 = tpu.memref_slice %arg4[%add3A_144] : memref<25165824xf32, #tpu.memory_space<hbm>> -> memref<24576xf32, #tpu.memory_space<hbm>>
    tpu.wait_dma2 semaphore(%arg17 : memref<!tpu.dma_semaphore, #tpu.memory_space<semaphore_mem>>) src(%arg9 : memref<24576xf32, #tpu.memory_space<vmem>>) dst(%dma_wait3A_168 : memref<24576xf32, #tpu.memory_space<hbm>>)
    %add3A_169 = arith.constant 64 : i32
    %add3A_170 = arith.addi %mul3A_2, %add3A_169 : i32
    %mul3A_171 = arith.constant 768 : i32
    %mul3A_172 = arith.muli %add3A_170, %mul3A_171 : i32
    %add3A_173 = arith.constant 0 : i32
    %add3A_174 = arith.addi %add3A_173, %mul3A_172 : i32
    %dma_start3A_175 = tpu.memref_slice %arg2[%add3A_174] : memref<25165824xf32, #tpu.memory_space<hbm>> -> memref<24576xf32, #tpu.memory_space<hbm>>
    %dma_start3A_176 = tpu.memref_slice %arg2[%add3A_174] : memref<25165824xf32, #tpu.memory_space<hbm>> -> memref<24576xf32, #tpu.memory_space<hbm>>
    tpu.enqueue_dma source(%dma_start3A_176 : memref<24576xf32, #tpu.memory_space<hbm>>) target(%arg9 : memref<24576xf32, #tpu.memory_space<vmem>>) target_semaphore(%arg14 : memref<!tpu.dma_semaphore, #tpu.memory_space<semaphore_mem>>)
    %dma_wait3A_177 = tpu.memref_slice %arg2[%add3A_154] : memref<25165824xf32, #tpu.memory_space<hbm>> -> memref<24576xf32, #tpu.memory_space<hbm>>
    %dma_wait3A_178 = tpu.memref_slice %arg2[%add3A_154] : memref<25165824xf32, #tpu.memory_space<hbm>> -> memref<24576xf32, #tpu.memory_space<hbm>>
    tpu.wait_dma2 semaphore(%arg13 : memref<!tpu.dma_semaphore, #tpu.memory_space<semaphore_mem>>) src(%dma_wait3A_178 : memref<24576xf32, #tpu.memory_space<hbm>>) dst(%arg8 : memref<24576xf32, #tpu.memory_space<vmem>>)
    %add3A_179 = arith.constant 32 : i32
    %add3A_180 = arith.addi %mul3A_2, %add3A_179 : i32
    %mul3A_181 = arith.constant 768 : i32
    %mul3A_182 = arith.muli %add3A_180, %mul3A_181 : i32
    %add3A_183 = arith.constant 18874368 : i32
    %add3A_184 = arith.addi %add3A_183, %mul3A_182 : i32
    %dma_start3A_185 = tpu.memref_slice %arg4[%add3A_184] : memref<25165824xf32, #tpu.memory_space<hbm>> -> memref<24576xf32, #tpu.memory_space<hbm>>
    %dma_start3A_186 = tpu.memref_slice %arg4[%add3A_184] : memref<25165824xf32, #tpu.memory_space<hbm>> -> memref<24576xf32, #tpu.memory_space<hbm>>
    tpu.enqueue_dma source(%arg8 : memref<24576xf32, #tpu.memory_space<vmem>>) target(%dma_start3A_186 : memref<24576xf32, #tpu.memory_space<hbm>>) target_semaphore(%arg16 : memref<!tpu.dma_semaphore, #tpu.memory_space<semaphore_mem>>)
    %dma_wait3A_187 = tpu.memref_slice %arg4[%add3A_164] : memref<25165824xf32, #tpu.memory_space<hbm>> -> memref<24576xf32, #tpu.memory_space<hbm>>
    %dma_wait3A_188 = tpu.memref_slice %arg4[%add3A_164] : memref<25165824xf32, #tpu.memory_space<hbm>> -> memref<24576xf32, #tpu.memory_space<hbm>>
    tpu.wait_dma2 semaphore(%arg15 : memref<!tpu.dma_semaphore, #tpu.memory_space<semaphore_mem>>) src(%arg7 : memref<24576xf32, #tpu.memory_space<vmem>>) dst(%dma_wait3A_188 : memref<24576xf32, #tpu.memory_space<hbm>>)
    %add3A_189 = arith.constant 64 : i32
    %add3A_190 = arith.addi %mul3A_2, %add3A_189 : i32
    %mul3A_191 = arith.constant 768 : i32
    %mul3A_192 = arith.muli %add3A_190, %mul3A_191 : i32
    %add3A_193 = arith.constant 6291456 : i32
    %add3A_194 = arith.addi %add3A_193, %mul3A_192 : i32
    %dma_start3A_195 = tpu.memref_slice %arg2[%add3A_194] : memref<25165824xf32, #tpu.memory_space<hbm>> -> memref<24576xf32, #tpu.memory_space<hbm>>
    %dma_start3A_196 = tpu.memref_slice %arg2[%add3A_194] : memref<25165824xf32, #tpu.memory_space<hbm>> -> memref<24576xf32, #tpu.memory_space<hbm>>
    tpu.enqueue_dma source(%dma_start3A_196 : memref<24576xf32, #tpu.memory_space<hbm>>) target(%arg7 : memref<24576xf32, #tpu.memory_space<vmem>>) target_semaphore(%arg12 : memref<!tpu.dma_semaphore, #tpu.memory_space<semaphore_mem>>)
    %add3A_197 = arith.constant 96 : i32
    %add3A_198 = arith.addi %mul3A_2, %add3A_197 : i32
    %mul3A_199 = arith.constant 768 : i32
    %mul3A_200 = arith.muli %add3A_198, %mul3A_199 : i32
    %dma_start3A_201 = tpu.memref_slice %arg3[%mul3A_200] : memref<6291456xf32, #tpu.memory_space<hbm>> -> memref<24576xf32, #tpu.memory_space<hbm>>
    %dma_start3A_202 = tpu.memref_slice %arg3[%mul3A_200] : memref<6291456xf32, #tpu.memory_space<hbm>> -> memref<24576xf32, #tpu.memory_space<hbm>>
    tpu.enqueue_dma source(%dma_start3A_202 : memref<24576xf32, #tpu.memory_space<hbm>>) target(%arg6 : memref<24576xf32, #tpu.memory_space<vmem>>) target_semaphore(%arg11 : memref<!tpu.dma_semaphore, #tpu.memory_space<semaphore_mem>>)
    %dma_wait3A_203 = tpu.memref_slice %arg3[%mul3A_112] : memref<6291456xf32, #tpu.memory_space<hbm>> -> memref<24576xf32, #tpu.memory_space<hbm>>
    %dma_wait3A_204 = tpu.memref_slice %arg3[%mul3A_112] : memref<6291456xf32, #tpu.memory_space<hbm>> -> memref<24576xf32, #tpu.memory_space<hbm>>
    tpu.wait_dma2 semaphore(%arg10 : memref<!tpu.dma_semaphore, #tpu.memory_space<semaphore_mem>>) src(%dma_wait3A_204 : memref<24576xf32, #tpu.memory_space<hbm>>) dst(%arg5 : memref<24576xf32, #tpu.memory_space<vmem>>)
    %dma_wait3A_205 = tpu.memref_slice %arg2[%add3A_174] : memref<25165824xf32, #tpu.memory_space<hbm>> -> memref<24576xf32, #tpu.memory_space<hbm>>
    %dma_wait3A_206 = tpu.memref_slice %arg2[%add3A_174] : memref<25165824xf32, #tpu.memory_space<hbm>> -> memref<24576xf32, #tpu.memory_space<hbm>>
    tpu.wait_dma2 semaphore(%arg14 : memref<!tpu.dma_semaphore, #tpu.memory_space<semaphore_mem>>) src(%dma_wait3A_206 : memref<24576xf32, #tpu.memory_space<hbm>>) dst(%arg9 : memref<24576xf32, #tpu.memory_space<vmem>>)
    %add3A_207 = arith.constant 64 : i32
    %add3A_208 = arith.addi %mul3A_2, %add3A_207 : i32
    %mul3A_209 = arith.constant 768 : i32
    %mul3A_210 = arith.muli %add3A_208, %mul3A_209 : i32
    %add3A_211 = arith.constant 0 : i32
    %add3A_212 = arith.addi %add3A_211, %mul3A_210 : i32
    %dma_start3A_213 = tpu.memref_slice %arg4[%add3A_212] : memref<25165824xf32, #tpu.memory_space<hbm>> -> memref<24576xf32, #tpu.memory_space<hbm>>
    %dma_start3A_214 = tpu.memref_slice %arg4[%add3A_212] : memref<25165824xf32, #tpu.memory_space<hbm>> -> memref<24576xf32, #tpu.memory_space<hbm>>
    tpu.enqueue_dma source(%arg9 : memref<24576xf32, #tpu.memory_space<vmem>>) target(%dma_start3A_214 : memref<24576xf32, #tpu.memory_space<hbm>>) target_semaphore(%arg17 : memref<!tpu.dma_semaphore, #tpu.memory_space<semaphore_mem>>)
    %dma_wait3A_215 = tpu.memref_slice %arg4[%add3A_184] : memref<25165824xf32, #tpu.memory_space<hbm>> -> memref<24576xf32, #tpu.memory_space<hbm>>
    %dma_wait3A_216 = tpu.memref_slice %arg4[%add3A_184] : memref<25165824xf32, #tpu.memory_space<hbm>> -> memref<24576xf32, #tpu.memory_space<hbm>>
    tpu.wait_dma2 semaphore(%arg16 : memref<!tpu.dma_semaphore, #tpu.memory_space<semaphore_mem>>) src(%arg8 : memref<24576xf32, #tpu.memory_space<vmem>>) dst(%dma_wait3A_216 : memref<24576xf32, #tpu.memory_space<hbm>>)
    %add3A_217 = arith.constant 64 : i32
    %add3A_218 = arith.addi %mul3A_2, %add3A_217 : i32
    %mul3A_219 = arith.constant 768 : i32
    %mul3A_220 = arith.muli %add3A_218, %mul3A_219 : i32
    %add3A_221 = arith.constant 12582912 : i32
    %add3A_222 = arith.addi %add3A_221, %mul3A_220 : i32
    %dma_start3A_223 = tpu.memref_slice %arg2[%add3A_222] : memref<25165824xf32, #tpu.memory_space<hbm>> -> memref<24576xf32, #tpu.memory_space<hbm>>
    %dma_start3A_224 = tpu.memref_slice %arg2[%add3A_222] : memref<25165824xf32, #tpu.memory_space<hbm>> -> memref<24576xf32, #tpu.memory_space<hbm>>
    tpu.enqueue_dma source(%dma_start3A_224 : memref<24576xf32, #tpu.memory_space<hbm>>) target(%arg8 : memref<24576xf32, #tpu.memory_space<vmem>>) target_semaphore(%arg13 : memref<!tpu.dma_semaphore, #tpu.memory_space<semaphore_mem>>)
    %dma_wait3A_225 = tpu.memref_slice %arg2[%add3A_194] : memref<25165824xf32, #tpu.memory_space<hbm>> -> memref<24576xf32, #tpu.memory_space<hbm>>
    %dma_wait3A_226 = tpu.memref_slice %arg2[%add3A_194] : memref<25165824xf32, #tpu.memory_space<hbm>> -> memref<24576xf32, #tpu.memory_space<hbm>>
    tpu.wait_dma2 semaphore(%arg12 : memref<!tpu.dma_semaphore, #tpu.memory_space<semaphore_mem>>) src(%dma_wait3A_226 : memref<24576xf32, #tpu.memory_space<hbm>>) dst(%arg7 : memref<24576xf32, #tpu.memory_space<vmem>>)
    %add3A_227 = arith.constant 64 : i32
    %add3A_228 = arith.addi %mul3A_2, %add3A_227 : i32
    %mul3A_229 = arith.constant 768 : i32
    %mul3A_230 = arith.muli %add3A_228, %mul3A_229 : i32
    %add3A_231 = arith.constant 6291456 : i32
    %add3A_232 = arith.addi %add3A_231, %mul3A_230 : i32
    %dma_start3A_233 = tpu.memref_slice %arg4[%add3A_232] : memref<25165824xf32, #tpu.memory_space<hbm>> -> memref<24576xf32, #tpu.memory_space<hbm>>
    %dma_start3A_234 = tpu.memref_slice %arg4[%add3A_232] : memref<25165824xf32, #tpu.memory_space<hbm>> -> memref<24576xf32, #tpu.memory_space<hbm>>
    tpu.enqueue_dma source(%arg7 : memref<24576xf32, #tpu.memory_space<vmem>>) target(%dma_start3A_234 : memref<24576xf32, #tpu.memory_space<hbm>>) target_semaphore(%arg15 : memref<!tpu.dma_semaphore, #tpu.memory_space<semaphore_mem>>)
    %dma_wait3A_235 = tpu.memref_slice %arg4[%add3A_212] : memref<25165824xf32, #tpu.memory_space<hbm>> -> memref<24576xf32, #tpu.memory_space<hbm>>
    %dma_wait3A_236 = tpu.memref_slice %arg4[%add3A_212] : memref<25165824xf32, #tpu.memory_space<hbm>> -> memref<24576xf32, #tpu.memory_space<hbm>>
    tpu.wait_dma2 semaphore(%arg17 : memref<!tpu.dma_semaphore, #tpu.memory_space<semaphore_mem>>) src(%arg9 : memref<24576xf32, #tpu.memory_space<vmem>>) dst(%dma_wait3A_236 : memref<24576xf32, #tpu.memory_space<hbm>>)
    %add3A_237 = arith.constant 64 : i32
    %add3A_238 = arith.addi %mul3A_2, %add3A_237 : i32
    %mul3A_239 = arith.constant 768 : i32
    %mul3A_240 = arith.muli %add3A_238, %mul3A_239 : i32
    %add3A_241 = arith.constant 18874368 : i32
    %add3A_242 = arith.addi %add3A_241, %mul3A_240 : i32
    %dma_start3A_243 = tpu.memref_slice %arg2[%add3A_242] : memref<25165824xf32, #tpu.memory_space<hbm>> -> memref<24576xf32, #tpu.memory_space<hbm>>
    %dma_start3A_244 = tpu.memref_slice %arg2[%add3A_242] : memref<25165824xf32, #tpu.memory_space<hbm>> -> memref<24576xf32, #tpu.memory_space<hbm>>
    tpu.enqueue_dma source(%dma_start3A_244 : memref<24576xf32, #tpu.memory_space<hbm>>) target(%arg9 : memref<24576xf32, #tpu.memory_space<vmem>>) target_semaphore(%arg14 : memref<!tpu.dma_semaphore, #tpu.memory_space<semaphore_mem>>)
    %dma_wait3A_245 = tpu.memref_slice %arg2[%add3A_222] : memref<25165824xf32, #tpu.memory_space<hbm>> -> memref<24576xf32, #tpu.memory_space<hbm>>
    %dma_wait3A_246 = tpu.memref_slice %arg2[%add3A_222] : memref<25165824xf32, #tpu.memory_space<hbm>> -> memref<24576xf32, #tpu.memory_space<hbm>>
    tpu.wait_dma2 semaphore(%arg13 : memref<!tpu.dma_semaphore, #tpu.memory_space<semaphore_mem>>) src(%dma_wait3A_246 : memref<24576xf32, #tpu.memory_space<hbm>>) dst(%arg8 : memref<24576xf32, #tpu.memory_space<vmem>>)
    %add3A_247 = arith.constant 64 : i32
    %add3A_248 = arith.addi %mul3A_2, %add3A_247 : i32
    %mul3A_249 = arith.constant 768 : i32
    %mul3A_250 = arith.muli %add3A_248, %mul3A_249 : i32
    %add3A_251 = arith.constant 12582912 : i32
    %add3A_252 = arith.addi %add3A_251, %mul3A_250 : i32
    %dma_start3A_253 = tpu.memref_slice %arg4[%add3A_252] : memref<25165824xf32, #tpu.memory_space<hbm>> -> memref<24576xf32, #tpu.memory_space<hbm>>
    %dma_start3A_254 = tpu.memref_slice %arg4[%add3A_252] : memref<25165824xf32, #tpu.memory_space<hbm>> -> memref<24576xf32, #tpu.memory_space<hbm>>
    tpu.enqueue_dma source(%arg8 : memref<24576xf32, #tpu.memory_space<vmem>>) target(%dma_start3A_254 : memref<24576xf32, #tpu.memory_space<hbm>>) target_semaphore(%arg16 : memref<!tpu.dma_semaphore, #tpu.memory_space<semaphore_mem>>)
    %dma_wait3A_255 = tpu.memref_slice %arg4[%add3A_232] : memref<25165824xf32, #tpu.memory_space<hbm>> -> memref<24576xf32, #tpu.memory_space<hbm>>
    %dma_wait3A_256 = tpu.memref_slice %arg4[%add3A_232] : memref<25165824xf32, #tpu.memory_space<hbm>> -> memref<24576xf32, #tpu.memory_space<hbm>>
    tpu.wait_dma2 semaphore(%arg15 : memref<!tpu.dma_semaphore, #tpu.memory_space<semaphore_mem>>) src(%arg7 : memref<24576xf32, #tpu.memory_space<vmem>>) dst(%dma_wait3A_256 : memref<24576xf32, #tpu.memory_space<hbm>>)
    %add3A_257 = arith.constant 96 : i32
    %add3A_258 = arith.addi %mul3A_2, %add3A_257 : i32
    %mul3A_259 = arith.constant 768 : i32
    %mul3A_260 = arith.muli %add3A_258, %mul3A_259 : i32
    %add3A_261 = arith.constant 0 : i32
    %add3A_262 = arith.addi %add3A_261, %mul3A_260 : i32
    %dma_start3A_263 = tpu.memref_slice %arg2[%add3A_262] : memref<25165824xf32, #tpu.memory_space<hbm>> -> memref<24576xf32, #tpu.memory_space<hbm>>
    %dma_start3A_264 = tpu.memref_slice %arg2[%add3A_262] : memref<25165824xf32, #tpu.memory_space<hbm>> -> memref<24576xf32, #tpu.memory_space<hbm>>
    tpu.enqueue_dma source(%dma_start3A_264 : memref<24576xf32, #tpu.memory_space<hbm>>) target(%arg7 : memref<24576xf32, #tpu.memory_space<vmem>>) target_semaphore(%arg12 : memref<!tpu.dma_semaphore, #tpu.memory_space<semaphore_mem>>)
    %dma_wait3A_265 = tpu.memref_slice %arg2[%add3A_242] : memref<25165824xf32, #tpu.memory_space<hbm>> -> memref<24576xf32, #tpu.memory_space<hbm>>
    %dma_wait3A_266 = tpu.memref_slice %arg2[%add3A_242] : memref<25165824xf32, #tpu.memory_space<hbm>> -> memref<24576xf32, #tpu.memory_space<hbm>>
    tpu.wait_dma2 semaphore(%arg14 : memref<!tpu.dma_semaphore, #tpu.memory_space<semaphore_mem>>) src(%dma_wait3A_266 : memref<24576xf32, #tpu.memory_space<hbm>>) dst(%arg9 : memref<24576xf32, #tpu.memory_space<vmem>>)
    %add3A_267 = arith.constant 64 : i32
    %add3A_268 = arith.addi %mul3A_2, %add3A_267 : i32
    %mul3A_269 = arith.constant 768 : i32
    %mul3A_270 = arith.muli %add3A_268, %mul3A_269 : i32
    %add3A_271 = arith.constant 18874368 : i32
    %add3A_272 = arith.addi %add3A_271, %mul3A_270 : i32
    %dma_start3A_273 = tpu.memref_slice %arg4[%add3A_272] : memref<25165824xf32, #tpu.memory_space<hbm>> -> memref<24576xf32, #tpu.memory_space<hbm>>
    %dma_start3A_274 = tpu.memref_slice %arg4[%add3A_272] : memref<25165824xf32, #tpu.memory_space<hbm>> -> memref<24576xf32, #tpu.memory_space<hbm>>
    tpu.enqueue_dma source(%arg9 : memref<24576xf32, #tpu.memory_space<vmem>>) target(%dma_start3A_274 : memref<24576xf32, #tpu.memory_space<hbm>>) target_semaphore(%arg17 : memref<!tpu.dma_semaphore, #tpu.memory_space<semaphore_mem>>)
    %dma_wait3A_275 = tpu.memref_slice %arg4[%add3A_252] : memref<25165824xf32, #tpu.memory_space<hbm>> -> memref<24576xf32, #tpu.memory_space<hbm>>
    %dma_wait3A_276 = tpu.memref_slice %arg4[%add3A_252] : memref<25165824xf32, #tpu.memory_space<hbm>> -> memref<24576xf32, #tpu.memory_space<hbm>>
    tpu.wait_dma2 semaphore(%arg16 : memref<!tpu.dma_semaphore, #tpu.memory_space<semaphore_mem>>) src(%arg8 : memref<24576xf32, #tpu.memory_space<vmem>>) dst(%dma_wait3A_276 : memref<24576xf32, #tpu.memory_space<hbm>>)
    %add3A_277 = arith.constant 96 : i32
    %add3A_278 = arith.addi %mul3A_2, %add3A_277 : i32
    %mul3A_279 = arith.constant 768 : i32
    %mul3A_280 = arith.muli %add3A_278, %mul3A_279 : i32
    %add3A_281 = arith.constant 6291456 : i32
    %add3A_282 = arith.addi %add3A_281, %mul3A_280 : i32
    %dma_start3A_283 = tpu.memref_slice %arg2[%add3A_282] : memref<25165824xf32, #tpu.memory_space<hbm>> -> memref<24576xf32, #tpu.memory_space<hbm>>
    %dma_start3A_284 = tpu.memref_slice %arg2[%add3A_282] : memref<25165824xf32, #tpu.memory_space<hbm>> -> memref<24576xf32, #tpu.memory_space<hbm>>
    tpu.enqueue_dma source(%dma_start3A_284 : memref<24576xf32, #tpu.memory_space<hbm>>) target(%arg8 : memref<24576xf32, #tpu.memory_space<vmem>>) target_semaphore(%arg13 : memref<!tpu.dma_semaphore, #tpu.memory_space<semaphore_mem>>)
    %add3A_285 = arith.constant 128 : i32
    %add3A_286 = arith.addi %mul3A_2, %add3A_285 : i32
    %mul3A_287 = arith.constant 768 : i32
    %mul3A_288 = arith.muli %add3A_286, %mul3A_287 : i32
    %dma_start3A_289 = tpu.memref_slice %arg3[%mul3A_288] : memref<6291456xf32, #tpu.memory_space<hbm>> -> memref<24576xf32, #tpu.memory_space<hbm>>
    %dma_start3A_290 = tpu.memref_slice %arg3[%mul3A_288] : memref<6291456xf32, #tpu.memory_space<hbm>> -> memref<24576xf32, #tpu.memory_space<hbm>>
    tpu.enqueue_dma source(%dma_start3A_290 : memref<24576xf32, #tpu.memory_space<hbm>>) target(%arg5 : memref<24576xf32, #tpu.memory_space<vmem>>) target_semaphore(%arg10 : memref<!tpu.dma_semaphore, #tpu.memory_space<semaphore_mem>>)
    %dma_wait3A_291 = tpu.memref_slice %arg3[%mul3A_200] : memref<6291456xf32, #tpu.memory_space<hbm>> -> memref<24576xf32, #tpu.memory_space<hbm>>
    %dma_wait3A_292 = tpu.memref_slice %arg3[%mul3A_200] : memref<6291456xf32, #tpu.memory_space<hbm>> -> memref<24576xf32, #tpu.memory_space<hbm>>
    tpu.wait_dma2 semaphore(%arg11 : memref<!tpu.dma_semaphore, #tpu.memory_space<semaphore_mem>>) src(%dma_wait3A_292 : memref<24576xf32, #tpu.memory_space<hbm>>) dst(%arg6 : memref<24576xf32, #tpu.memory_space<vmem>>)
    %dma_wait3A_293 = tpu.memref_slice %arg2[%add3A_262] : memref<25165824xf32, #tpu.memory_space<hbm>> -> memref<24576xf32, #tpu.memory_space<hbm>>
    %dma_wait3A_294 = tpu.memref_slice %arg2[%add3A_262] : memref<25165824xf32, #tpu.memory_space<hbm>> -> memref<24576xf32, #tpu.memory_space<hbm>>
    tpu.wait_dma2 semaphore(%arg12 : memref<!tpu.dma_semaphore, #tpu.memory_space<semaphore_mem>>) src(%dma_wait3A_294 : memref<24576xf32, #tpu.memory_space<hbm>>) dst(%arg7 : memref<24576xf32, #tpu.memory_space<vmem>>)
    %add3A_295 = arith.constant 96 : i32
    %add3A_296 = arith.addi %mul3A_2, %add3A_295 : i32
    %mul3A_297 = arith.constant 768 : i32
    %mul3A_298 = arith.muli %add3A_296, %mul3A_297 : i32
    %add3A_299 = arith.constant 0 : i32
    %add3A_300 = arith.addi %add3A_299, %mul3A_298 : i32
    %dma_start3A_301 = tpu.memref_slice %arg4[%add3A_300] : memref<25165824xf32, #tpu.memory_space<hbm>> -> memref<24576xf32, #tpu.memory_space<hbm>>
    %dma_start3A_302 = tpu.memref_slice %arg4[%add3A_300] : memref<25165824xf32, #tpu.memory_space<hbm>> -> memref<24576xf32, #tpu.memory_space<hbm>>
    tpu.enqueue_dma source(%arg7 : memref<24576xf32, #tpu.memory_space<vmem>>) target(%dma_start3A_302 : memref<24576xf32, #tpu.memory_space<hbm>>) target_semaphore(%arg15 : memref<!tpu.dma_semaphore, #tpu.memory_space<semaphore_mem>>)
    %dma_wait3A_303 = tpu.memref_slice %arg4[%add3A_272] : memref<25165824xf32, #tpu.memory_space<hbm>> -> memref<24576xf32, #tpu.memory_space<hbm>>
    %dma_wait3A_304 = tpu.memref_slice %arg4[%add3A_272] : memref<25165824xf32, #tpu.memory_space<hbm>> -> memref<24576xf32, #tpu.memory_space<hbm>>
    tpu.wait_dma2 semaphore(%arg17 : memref<!tpu.dma_semaphore, #tpu.memory_space<semaphore_mem>>) src(%arg9 : memref<24576xf32, #tpu.memory_space<vmem>>) dst(%dma_wait3A_304 : memref<24576xf32, #tpu.memory_space<hbm>>)
    %add3A_305 = arith.constant 96 : i32
    %add3A_306 = arith.addi %mul3A_2, %add3A_305 : i32
    %mul3A_307 = arith.constant 768 : i32
    %mul3A_308 = arith.muli %add3A_306, %mul3A_307 : i32
    %add3A_309 = arith.constant 12582912 : i32
    %add3A_310 = arith.addi %add3A_309, %mul3A_308 : i32
    %dma_start3A_311 = tpu.memref_slice %arg2[%add3A_310] : memref<25165824xf32, #tpu.memory_space<hbm>> -> memref<24576xf32, #tpu.memory_space<hbm>>
    %dma_start3A_312 = tpu.memref_slice %arg2[%add3A_310] : memref<25165824xf32, #tpu.memory_space<hbm>> -> memref<24576xf32, #tpu.memory_space<hbm>>
    tpu.enqueue_dma source(%dma_start3A_312 : memref<24576xf32, #tpu.memory_space<hbm>>) target(%arg9 : memref<24576xf32, #tpu.memory_space<vmem>>) target_semaphore(%arg14 : memref<!tpu.dma_semaphore, #tpu.memory_space<semaphore_mem>>)
    %dma_wait3A_313 = tpu.memref_slice %arg2[%add3A_282] : memref<25165824xf32, #tpu.memory_space<hbm>> -> memref<24576xf32, #tpu.memory_space<hbm>>
    %dma_wait3A_314 = tpu.memref_slice %arg2[%add3A_282] : memref<25165824xf32, #tpu.memory_space<hbm>> -> memref<24576xf32, #tpu.memory_space<hbm>>
    tpu.wait_dma2 semaphore(%arg13 : memref<!tpu.dma_semaphore, #tpu.memory_space<semaphore_mem>>) src(%dma_wait3A_314 : memref<24576xf32, #tpu.memory_space<hbm>>) dst(%arg8 : memref<24576xf32, #tpu.memory_space<vmem>>)
    %add3A_315 = arith.constant 96 : i32
    %add3A_316 = arith.addi %mul3A_2, %add3A_315 : i32
    %mul3A_317 = arith.constant 768 : i32
    %mul3A_318 = arith.muli %add3A_316, %mul3A_317 : i32
    %add3A_319 = arith.constant 6291456 : i32
    %add3A_320 = arith.addi %add3A_319, %mul3A_318 : i32
    %dma_start3A_321 = tpu.memref_slice %arg4[%add3A_320] : memref<25165824xf32, #tpu.memory_space<hbm>> -> memref<24576xf32, #tpu.memory_space<hbm>>
    %dma_start3A_322 = tpu.memref_slice %arg4[%add3A_320] : memref<25165824xf32, #tpu.memory_space<hbm>> -> memref<24576xf32, #tpu.memory_space<hbm>>
    tpu.enqueue_dma source(%arg8 : memref<24576xf32, #tpu.memory_space<vmem>>) target(%dma_start3A_322 : memref<24576xf32, #tpu.memory_space<hbm>>) target_semaphore(%arg16 : memref<!tpu.dma_semaphore, #tpu.memory_space<semaphore_mem>>)
    %dma_wait3A_323 = tpu.memref_slice %arg4[%add3A_300] : memref<25165824xf32, #tpu.memory_space<hbm>> -> memref<24576xf32, #tpu.memory_space<hbm>>
    %dma_wait3A_324 = tpu.memref_slice %arg4[%add3A_300] : memref<25165824xf32, #tpu.memory_space<hbm>> -> memref<24576xf32, #tpu.memory_space<hbm>>
    tpu.wait_dma2 semaphore(%arg15 : memref<!tpu.dma_semaphore, #tpu.memory_space<semaphore_mem>>) src(%arg7 : memref<24576xf32, #tpu.memory_space<vmem>>) dst(%dma_wait3A_324 : memref<24576xf32, #tpu.memory_space<hbm>>)
    %add3A_325 = arith.constant 96 : i32
    %add3A_326 = arith.addi %mul3A_2, %add3A_325 : i32
    %mul3A_327 = arith.constant 768 : i32
    %mul3A_328 = arith.muli %add3A_326, %mul3A_327 : i32
    %add3A_329 = arith.constant 18874368 : i32
    %add3A_330 = arith.addi %add3A_329, %mul3A_328 : i32
    %dma_start3A_331 = tpu.memref_slice %arg2[%add3A_330] : memref<25165824xf32, #tpu.memory_space<hbm>> -> memref<24576xf32, #tpu.memory_space<hbm>>
    %dma_start3A_332 = tpu.memref_slice %arg2[%add3A_330] : memref<25165824xf32, #tpu.memory_space<hbm>> -> memref<24576xf32, #tpu.memory_space<hbm>>
    tpu.enqueue_dma source(%dma_start3A_332 : memref<24576xf32, #tpu.memory_space<hbm>>) target(%arg7 : memref<24576xf32, #tpu.memory_space<vmem>>) target_semaphore(%arg12 : memref<!tpu.dma_semaphore, #tpu.memory_space<semaphore_mem>>)
    %dma_wait3A_333 = tpu.memref_slice %arg2[%add3A_310] : memref<25165824xf32, #tpu.memory_space<hbm>> -> memref<24576xf32, #tpu.memory_space<hbm>>
    %dma_wait3A_334 = tpu.memref_slice %arg2[%add3A_310] : memref<25165824xf32, #tpu.memory_space<hbm>> -> memref<24576xf32, #tpu.memory_space<hbm>>
    tpu.wait_dma2 semaphore(%arg14 : memref<!tpu.dma_semaphore, #tpu.memory_space<semaphore_mem>>) src(%dma_wait3A_334 : memref<24576xf32, #tpu.memory_space<hbm>>) dst(%arg9 : memref<24576xf32, #tpu.memory_space<vmem>>)
    %add3A_335 = arith.constant 96 : i32
    %add3A_336 = arith.addi %mul3A_2, %add3A_335 : i32
    %mul3A_337 = arith.constant 768 : i32
    %mul3A_338 = arith.muli %add3A_336, %mul3A_337 : i32
    %add3A_339 = arith.constant 12582912 : i32
    %add3A_340 = arith.addi %add3A_339, %mul3A_338 : i32
    %dma_start3A_341 = tpu.memref_slice %arg4[%add3A_340] : memref<25165824xf32, #tpu.memory_space<hbm>> -> memref<24576xf32, #tpu.memory_space<hbm>>
    %dma_start3A_342 = tpu.memref_slice %arg4[%add3A_340] : memref<25165824xf32, #tpu.memory_space<hbm>> -> memref<24576xf32, #tpu.memory_space<hbm>>
    tpu.enqueue_dma source(%arg9 : memref<24576xf32, #tpu.memory_space<vmem>>) target(%dma_start3A_342 : memref<24576xf32, #tpu.memory_space<hbm>>) target_semaphore(%arg17 : memref<!tpu.dma_semaphore, #tpu.memory_space<semaphore_mem>>)
    %dma_wait3A_343 = tpu.memref_slice %arg4[%add3A_320] : memref<25165824xf32, #tpu.memory_space<hbm>> -> memref<24576xf32, #tpu.memory_space<hbm>>
    %dma_wait3A_344 = tpu.memref_slice %arg4[%add3A_320] : memref<25165824xf32, #tpu.memory_space<hbm>> -> memref<24576xf32, #tpu.memory_space<hbm>>
    tpu.wait_dma2 semaphore(%arg16 : memref<!tpu.dma_semaphore, #tpu.memory_space<semaphore_mem>>) src(%arg8 : memref<24576xf32, #tpu.memory_space<vmem>>) dst(%dma_wait3A_344 : memref<24576xf32, #tpu.memory_space<hbm>>)
    %add3A_345 = arith.constant 128 : i32
    %add3A_346 = arith.addi %mul3A_2, %add3A_345 : i32
    %mul3A_347 = arith.constant 768 : i32
    %mul3A_348 = arith.muli %add3A_346, %mul3A_347 : i32
    %add3A_349 = arith.constant 0 : i32
    %add3A_350 = arith.addi %add3A_349, %mul3A_348 : i32
    %dma_start3A_351 = tpu.memref_slice %arg2[%add3A_350] : memref<25165824xf32, #tpu.memory_space<hbm>> -> memref<24576xf32, #tpu.memory_space<hbm>>
    %dma_start3A_352 = tpu.memref_slice %arg2[%add3A_350] : memref<25165824xf32, #tpu.memory_space<hbm>> -> memref<24576xf32, #tpu.memory_space<hbm>>
    tpu.enqueue_dma source(%dma_start3A_352 : memref<24576xf32, #tpu.memory_space<hbm>>) target(%arg8 : memref<24576xf32, #tpu.memory_space<vmem>>) target_semaphore(%arg13 : memref<!tpu.dma_semaphore, #tpu.memory_space<semaphore_mem>>)
    %dma_wait3A_353 = tpu.memref_slice %arg2[%add3A_330] : memref<25165824xf32, #tpu.memory_space<hbm>> -> memref<24576xf32, #tpu.memory_space<hbm>>
    %dma_wait3A_354 = tpu.memref_slice %arg2[%add3A_330] : memref<25165824xf32, #tpu.memory_space<hbm>> -> memref<24576xf32, #tpu.memory_space<hbm>>
    tpu.wait_dma2 semaphore(%arg12 : memref<!tpu.dma_semaphore, #tpu.memory_space<semaphore_mem>>) src(%dma_wait3A_354 : memref<24576xf32, #tpu.memory_space<hbm>>) dst(%arg7 : memref<24576xf32, #tpu.memory_space<vmem>>)
    %add3A_355 = arith.constant 96 : i32
    %add3A_356 = arith.addi %mul3A_2, %add3A_355 : i32
    %mul3A_357 = arith.constant 768 : i32
    %mul3A_358 = arith.muli %add3A_356, %mul3A_357 : i32
    %add3A_359 = arith.constant 18874368 : i32
    %add3A_360 = arith.addi %add3A_359, %mul3A_358 : i32
    %dma_start3A_361 = tpu.memref_slice %arg4[%add3A_360] : memref<25165824xf32, #tpu.memory_space<hbm>> -> memref<24576xf32, #tpu.memory_space<hbm>>
    %dma_start3A_362 = tpu.memref_slice %arg4[%add3A_360] : memref<25165824xf32, #tpu.memory_space<hbm>> -> memref<24576xf32, #tpu.memory_space<hbm>>
    tpu.enqueue_dma source(%arg7 : memref<24576xf32, #tpu.memory_space<vmem>>) target(%dma_start3A_362 : memref<24576xf32, #tpu.memory_space<hbm>>) target_semaphore(%arg15 : memref<!tpu.dma_semaphore, #tpu.memory_space<semaphore_mem>>)
    %dma_wait3A_363 = tpu.memref_slice %arg4[%add3A_340] : memref<25165824xf32, #tpu.memory_space<hbm>> -> memref<24576xf32, #tpu.memory_space<hbm>>
    %dma_wait3A_364 = tpu.memref_slice %arg4[%add3A_340] : memref<25165824xf32, #tpu.memory_space<hbm>> -> memref<24576xf32, #tpu.memory_space<hbm>>
    tpu.wait_dma2 semaphore(%arg17 : memref<!tpu.dma_semaphore, #tpu.memory_space<semaphore_mem>>) src(%arg9 : memref<24576xf32, #tpu.memory_space<vmem>>) dst(%dma_wait3A_364 : memref<24576xf32, #tpu.memory_space<hbm>>)
    %add3A_365 = arith.constant 128 : i32
    %add3A_366 = arith.addi %mul3A_2, %add3A_365 : i32
    %mul3A_367 = arith.constant 768 : i32
    %mul3A_368 = arith.muli %add3A_366, %mul3A_367 : i32
    %add3A_369 = arith.constant 6291456 : i32
    %add3A_370 = arith.addi %add3A_369, %mul3A_368 : i32
    %dma_start3A_371 = tpu.memref_slice %arg2[%add3A_370] : memref<25165824xf32, #tpu.memory_space<hbm>> -> memref<24576xf32, #tpu.memory_space<hbm>>
    %dma_start3A_372 = tpu.memref_slice %arg2[%add3A_370] : memref<25165824xf32, #tpu.memory_space<hbm>> -> memref<24576xf32, #tpu.memory_space<hbm>>
    tpu.enqueue_dma source(%dma_start3A_372 : memref<24576xf32, #tpu.memory_space<hbm>>) target(%arg9 : memref<24576xf32, #tpu.memory_space<vmem>>) target_semaphore(%arg14 : memref<!tpu.dma_semaphore, #tpu.memory_space<semaphore_mem>>)
    %add3A_373 = arith.constant 160 : i32
    %add3A_374 = arith.addi %mul3A_2, %add3A_373 : i32
    %mul3A_375 = arith.constant 768 : i32
    %mul3A_376 = arith.muli %add3A_374, %mul3A_375 : i32
    %dma_start3A_377 = tpu.memref_slice %arg3[%mul3A_376] : memref<6291456xf32, #tpu.memory_space<hbm>> -> memref<24576xf32, #tpu.memory_space<hbm>>
    %dma_start3A_378 = tpu.memref_slice %arg3[%mul3A_376] : memref<6291456xf32, #tpu.memory_space<hbm>> -> memref<24576xf32, #tpu.memory_space<hbm>>
    tpu.enqueue_dma source(%dma_start3A_378 : memref<24576xf32, #tpu.memory_space<hbm>>) target(%arg6 : memref<24576xf32, #tpu.memory_space<vmem>>) target_semaphore(%arg11 : memref<!tpu.dma_semaphore, #tpu.memory_space<semaphore_mem>>)
    %dma_wait3A_379 = tpu.memref_slice %arg3[%mul3A_288] : memref<6291456xf32, #tpu.memory_space<hbm>> -> memref<24576xf32, #tpu.memory_space<hbm>>
    %dma_wait3A_380 = tpu.memref_slice %arg3[%mul3A_288] : memref<6291456xf32, #tpu.memory_space<hbm>> -> memref<24576xf32, #tpu.memory_space<hbm>>
    tpu.wait_dma2 semaphore(%arg10 : memref<!tpu.dma_semaphore, #tpu.memory_space<semaphore_mem>>) src(%dma_wait3A_380 : memref<24576xf32, #tpu.memory_space<hbm>>) dst(%arg5 : memref<24576xf32, #tpu.memory_space<vmem>>)
    %dma_wait3A_381 = tpu.memref_slice %arg2[%add3A_350] : memref<25165824xf32, #tpu.memory_space<hbm>> -> memref<24576xf32, #tpu.memory_space<hbm>>
    %dma_wait3A_382 = tpu.memref_slice %arg2[%add3A_350] : memref<25165824xf32, #tpu.memory_space<hbm>> -> memref<24576xf32, #tpu.memory_space<hbm>>
    tpu.wait_dma2 semaphore(%arg13 : memref<!tpu.dma_semaphore, #tpu.memory_space<semaphore_mem>>) src(%dma_wait3A_382 : memref<24576xf32, #tpu.memory_space<hbm>>) dst(%arg8 : memref<24576xf32, #tpu.memory_space<vmem>>)
    %add3A_383 = arith.constant 128 : i32
    %add3A_384 = arith.addi %mul3A_2, %add3A_383 : i32
    %mul3A_385 = arith.constant 768 : i32
    %mul3A_386 = arith.muli %add3A_384, %mul3A_385 : i32
    %add3A_387 = arith.constant 0 : i32
    %add3A_388 = arith.addi %add3A_387, %mul3A_386 : i32
    %dma_start3A_389 = tpu.memref_slice %arg4[%add3A_388] : memref<25165824xf32, #tpu.memory_space<hbm>> -> memref<24576xf32, #tpu.memory_space<hbm>>
    %dma_start3A_390 = tpu.memref_slice %arg4[%add3A_388] : memref<25165824xf32, #tpu.memory_space<hbm>> -> memref<24576xf32, #tpu.memory_space<hbm>>
    tpu.enqueue_dma source(%arg8 : memref<24576xf32, #tpu.memory_space<vmem>>) target(%dma_start3A_390 : memref<24576xf32, #tpu.memory_space<hbm>>) target_semaphore(%arg16 : memref<!tpu.dma_semaphore, #tpu.memory_space<semaphore_mem>>)
    %dma_wait3A_391 = tpu.memref_slice %arg4[%add3A_360] : memref<25165824xf32, #tpu.memory_space<hbm>> -> memref<24576xf32, #tpu.memory_space<hbm>>
    %dma_wait3A_392 = tpu.memref_slice %arg4[%add3A_360] : memref<25165824xf32, #tpu.memory_space<hbm>> -> memref<24576xf32, #tpu.memory_space<hbm>>
    tpu.wait_dma2 semaphore(%arg15 : memref<!tpu.dma_semaphore, #tpu.memory_space<semaphore_mem>>) src(%arg7 : memref<24576xf32, #tpu.memory_space<vmem>>) dst(%dma_wait3A_392 : memref<24576xf32, #tpu.memory_space<hbm>>)
    %add3A_393 = arith.constant 128 : i32
    %add3A_394 = arith.addi %mul3A_2, %add3A_393 : i32
    %mul3A_395 = arith.constant 768 : i32
    %mul3A_396 = arith.muli %add3A_394, %mul3A_395 : i32
    %add3A_397 = arith.constant 12582912 : i32
    %add3A_398 = arith.addi %add3A_397, %mul3A_396 : i32
    %dma_start3A_399 = tpu.memref_slice %arg2[%add3A_398] : memref<25165824xf32, #tpu.memory_space<hbm>> -> memref<24576xf32, #tpu.memory_space<hbm>>
    %dma_start3A_400 = tpu.memref_slice %arg2[%add3A_398] : memref<25165824xf32, #tpu.memory_space<hbm>> -> memref<24576xf32, #tpu.memory_space<hbm>>
    tpu.enqueue_dma source(%dma_start3A_400 : memref<24576xf32, #tpu.memory_space<hbm>>) target(%arg7 : memref<24576xf32, #tpu.memory_space<vmem>>) target_semaphore(%arg12 : memref<!tpu.dma_semaphore, #tpu.memory_space<semaphore_mem>>)
    %dma_wait3A_401 = tpu.memref_slice %arg2[%add3A_370] : memref<25165824xf32, #tpu.memory_space<hbm>> -> memref<24576xf32, #tpu.memory_space<hbm>>
    %dma_wait3A_402 = tpu.memref_slice %arg2[%add3A_370] : memref<25165824xf32, #tpu.memory_space<hbm>> -> memref<24576xf32, #tpu.memory_space<hbm>>
    tpu.wait_dma2 semaphore(%arg14 : memref<!tpu.dma_semaphore, #tpu.memory_space<semaphore_mem>>) src(%dma_wait3A_402 : memref<24576xf32, #tpu.memory_space<hbm>>) dst(%arg9 : memref<24576xf32, #tpu.memory_space<vmem>>)
    %add3A_403 = arith.constant 128 : i32
    %add3A_404 = arith.addi %mul3A_2, %add3A_403 : i32
    %mul3A_405 = arith.constant 768 : i32
    %mul3A_406 = arith.muli %add3A_404, %mul3A_405 : i32
    %add3A_407 = arith.constant 6291456 : i32
    %add3A_408 = arith.addi %add3A_407, %mul3A_406 : i32
    %dma_start3A_409 = tpu.memref_slice %arg4[%add3A_408] : memref<25165824xf32, #tpu.memory_space<hbm>> -> memref<24576xf32, #tpu.memory_space<hbm>>
    %dma_start3A_410 = tpu.memref_slice %arg4[%add3A_408] : memref<25165824xf32, #tpu.memory_space<hbm>> -> memref<24576xf32, #tpu.memory_space<hbm>>
    tpu.enqueue_dma source(%arg9 : memref<24576xf32, #tpu.memory_space<vmem>>) target(%dma_start3A_410 : memref<24576xf32, #tpu.memory_space<hbm>>) target_semaphore(%arg17 : memref<!tpu.dma_semaphore, #tpu.memory_space<semaphore_mem>>)
    %dma_wait3A_411 = tpu.memref_slice %arg4[%add3A_388] : memref<25165824xf32, #tpu.memory_space<hbm>> -> memref<24576xf32, #tpu.memory_space<hbm>>
    %dma_wait3A_412 = tpu.memref_slice %arg4[%add3A_388] : memref<25165824xf32, #tpu.memory_space<hbm>> -> memref<24576xf32, #tpu.memory_space<hbm>>
    tpu.wait_dma2 semaphore(%arg16 : memref<!tpu.dma_semaphore, #tpu.memory_space<semaphore_mem>>) src(%arg8 : memref<24576xf32, #tpu.memory_space<vmem>>) dst(%dma_wait3A_412 : memref<24576xf32, #tpu.memory_space<hbm>>)
    %add3A_413 = arith.constant 128 : i32
    %add3A_414 = arith.addi %mul3A_2, %add3A_413 : i32
    %mul3A_415 = arith.constant 768 : i32
    %mul3A_416 = arith.muli %add3A_414, %mul3A_415 : i32
    %add3A_417 = arith.constant 18874368 : i32
    %add3A_418 = arith.addi %add3A_417, %mul3A_416 : i32
    %dma_start3A_419 = tpu.memref_slice %arg2[%add3A_418] : memref<25165824xf32, #tpu.memory_space<hbm>> -> memref<24576xf32, #tpu.memory_space<hbm>>
    %dma_start3A_420 = tpu.memref_slice %arg2[%add3A_418] : memref<25165824xf32, #tpu.memory_space<hbm>> -> memref<24576xf32, #tpu.memory_space<hbm>>
    tpu.enqueue_dma source(%dma_start3A_420 : memref<24576xf32, #tpu.memory_space<hbm>>) target(%arg8 : memref<24576xf32, #tpu.memory_space<vmem>>) target_semaphore(%arg13 : memref<!tpu.dma_semaphore, #tpu.memory_space<semaphore_mem>>)
    %dma_wait3A_421 = tpu.memref_slice %arg2[%add3A_398] : memref<25165824xf32, #tpu.memory_space<hbm>> -> memref<24576xf32, #tpu.memory_space<hbm>>
    %dma_wait3A_422 = tpu.memref_slice %arg2[%add3A_398] : memref<25165824xf32, #tpu.memory_space<hbm>> -> memref<24576xf32, #tpu.memory_space<hbm>>
    tpu.wait_dma2 semaphore(%arg12 : memref<!tpu.dma_semaphore, #tpu.memory_space<semaphore_mem>>) src(%dma_wait3A_422 : memref<24576xf32, #tpu.memory_space<hbm>>) dst(%arg7 : memref<24576xf32, #tpu.memory_space<vmem>>)
    %add3A_423 = arith.constant 128 : i32
    %add3A_424 = arith.addi %mul3A_2, %add3A_423 : i32
    %mul3A_425 = arith.constant 768 : i32
    %mul3A_426 = arith.muli %add3A_424, %mul3A_425 : i32
    %add3A_427 = arith.constant 12582912 : i32
    %add3A_428 = arith.addi %add3A_427, %mul3A_426 : i32
    %dma_start3A_429 = tpu.memref_slice %arg4[%add3A_428] : memref<25165824xf32, #tpu.memory_space<hbm>> -> memref<24576xf32, #tpu.memory_space<hbm>>
    %dma_start3A_430 = tpu.memref_slice %arg4[%add3A_428] : memref<25165824xf32, #tpu.memory_space<hbm>> -> memref<24576xf32, #tpu.memory_space<hbm>>
    tpu.enqueue_dma source(%arg7 : memref<24576xf32, #tpu.memory_space<vmem>>) target(%dma_start3A_430 : memref<24576xf32, #tpu.memory_space<hbm>>) target_semaphore(%arg15 : memref<!tpu.dma_semaphore, #tpu.memory_space<semaphore_mem>>)
    %dma_wait3A_431 = tpu.memref_slice %arg4[%add3A_408] : memref<25165824xf32, #tpu.memory_space<hbm>> -> memref<24576xf32, #tpu.memory_space<hbm>>
    %dma_wait3A_432 = tpu.memref_slice %arg4[%add3A_408] : memref<25165824xf32, #tpu.memory_space<hbm>> -> memref<24576xf32, #tpu.memory_space<hbm>>
    tpu.wait_dma2 semaphore(%arg17 : memref<!tpu.dma_semaphore, #tpu.memory_space<semaphore_mem>>) src(%arg9 : memref<24576xf32, #tpu.memory_space<vmem>>) dst(%dma_wait3A_432 : memref<24576xf32, #tpu.memory_space<hbm>>)
    %add3A_433 = arith.constant 160 : i32
    %add3A_434 = arith.addi %mul3A_2, %add3A_433 : i32
    %mul3A_435 = arith.constant 768 : i32
    %mul3A_436 = arith.muli %add3A_434, %mul3A_435 : i32
    %add3A_437 = arith.constant 0 : i32
    %add3A_438 = arith.addi %add3A_437, %mul3A_436 : i32
    %dma_start3A_439 = tpu.memref_slice %arg2[%add3A_438] : memref<25165824xf32, #tpu.memory_space<hbm>> -> memref<24576xf32, #tpu.memory_space<hbm>>
    %dma_start3A_440 = tpu.memref_slice %arg2[%add3A_438] : memref<25165824xf32, #tpu.memory_space<hbm>> -> memref<24576xf32, #tpu.memory_space<hbm>>
    tpu.enqueue_dma source(%dma_start3A_440 : memref<24576xf32, #tpu.memory_space<hbm>>) target(%arg9 : memref<24576xf32, #tpu.memory_space<vmem>>) target_semaphore(%arg14 : memref<!tpu.dma_semaphore, #tpu.memory_space<semaphore_mem>>)
    %dma_wait3A_441 = tpu.memref_slice %arg2[%add3A_418] : memref<25165824xf32, #tpu.memory_space<hbm>> -> memref<24576xf32, #tpu.memory_space<hbm>>
    %dma_wait3A_442 = tpu.memref_slice %arg2[%add3A_418] : memref<25165824xf32, #tpu.memory_space<hbm>> -> memref<24576xf32, #tpu.memory_space<hbm>>
    tpu.wait_dma2 semaphore(%arg13 : memref<!tpu.dma_semaphore, #tpu.memory_space<semaphore_mem>>) src(%dma_wait3A_442 : memref<24576xf32, #tpu.memory_space<hbm>>) dst(%arg8 : memref<24576xf32, #tpu.memory_space<vmem>>)
    %add3A_443 = arith.constant 128 : i32
    %add3A_444 = arith.addi %mul3A_2, %add3A_443 : i32
    %mul3A_445 = arith.constant 768 : i32
    %mul3A_446 = arith.muli %add3A_444, %mul3A_445 : i32
    %add3A_447 = arith.constant 18874368 : i32
    %add3A_448 = arith.addi %add3A_447, %mul3A_446 : i32
    %dma_start3A_449 = tpu.memref_slice %arg4[%add3A_448] : memref<25165824xf32, #tpu.memory_space<hbm>> -> memref<24576xf32, #tpu.memory_space<hbm>>
    %dma_start3A_450 = tpu.memref_slice %arg4[%add3A_448] : memref<25165824xf32, #tpu.memory_space<hbm>> -> memref<24576xf32, #tpu.memory_space<hbm>>
    tpu.enqueue_dma source(%arg8 : memref<24576xf32, #tpu.memory_space<vmem>>) target(%dma_start3A_450 : memref<24576xf32, #tpu.memory_space<hbm>>) target_semaphore(%arg16 : memref<!tpu.dma_semaphore, #tpu.memory_space<semaphore_mem>>)
    %dma_wait3A_451 = tpu.memref_slice %arg4[%add3A_428] : memref<25165824xf32, #tpu.memory_space<hbm>> -> memref<24576xf32, #tpu.memory_space<hbm>>
    %dma_wait3A_452 = tpu.memref_slice %arg4[%add3A_428] : memref<25165824xf32, #tpu.memory_space<hbm>> -> memref<24576xf32, #tpu.memory_space<hbm>>
    tpu.wait_dma2 semaphore(%arg15 : memref<!tpu.dma_semaphore, #tpu.memory_space<semaphore_mem>>) src(%arg7 : memref<24576xf32, #tpu.memory_space<vmem>>) dst(%dma_wait3A_452 : memref<24576xf32, #tpu.memory_space<hbm>>)
    %add3A_453 = arith.constant 160 : i32
    %add3A_454 = arith.addi %mul3A_2, %add3A_453 : i32
    %mul3A_455 = arith.constant 768 : i32
    %mul3A_456 = arith.muli %add3A_454, %mul3A_455 : i32
    %add3A_457 = arith.constant 6291456 : i32
    %add3A_458 = arith.addi %add3A_457, %mul3A_456 : i32
    %dma_start3A_459 = tpu.memref_slice %arg2[%add3A_458] : memref<25165824xf32, #tpu.memory_space<hbm>> -> memref<24576xf32, #tpu.memory_space<hbm>>
    %dma_start3A_460 = tpu.memref_slice %arg2[%add3A_458] : memref<25165824xf32, #tpu.memory_space<hbm>> -> memref<24576xf32, #tpu.memory_space<hbm>>
    tpu.enqueue_dma source(%dma_start3A_460 : memref<24576xf32, #tpu.memory_space<hbm>>) target(%arg7 : memref<24576xf32, #tpu.memory_space<vmem>>) target_semaphore(%arg12 : memref<!tpu.dma_semaphore, #tpu.memory_space<semaphore_mem>>)
    %add3A_461 = arith.constant 192 : i32
    %add3A_462 = arith.addi %mul3A_2, %add3A_461 : i32
    %mul3A_463 = arith.constant 768 : i32
    %mul3A_464 = arith.muli %add3A_462, %mul3A_463 : i32
    %dma_start3A_465 = tpu.memref_slice %arg3[%mul3A_464] : memref<6291456xf32, #tpu.memory_space<hbm>> -> memref<24576xf32, #tpu.memory_space<hbm>>
    %dma_start3A_466 = tpu.memref_slice %arg3[%mul3A_464] : memref<6291456xf32, #tpu.memory_space<hbm>> -> memref<24576xf32, #tpu.memory_space<hbm>>
    tpu.enqueue_dma source(%dma_start3A_466 : memref<24576xf32, #tpu.memory_space<hbm>>) target(%arg5 : memref<24576xf32, #tpu.memory_space<vmem>>) target_semaphore(%arg10 : memref<!tpu.dma_semaphore, #tpu.memory_space<semaphore_mem>>)
    %dma_wait3A_467 = tpu.memref_slice %arg3[%mul3A_376] : memref<6291456xf32, #tpu.memory_space<hbm>> -> memref<24576xf32, #tpu.memory_space<hbm>>
    %dma_wait3A_468 = tpu.memref_slice %arg3[%mul3A_376] : memref<6291456xf32, #tpu.memory_space<hbm>> -> memref<24576xf32, #tpu.memory_space<hbm>>
    tpu.wait_dma2 semaphore(%arg11 : memref<!tpu.dma_semaphore, #tpu.memory_space<semaphore_mem>>) src(%dma_wait3A_468 : memref<24576xf32, #tpu.memory_space<hbm>>) dst(%arg6 : memref<24576xf32, #tpu.memory_space<vmem>>)
    %dma_wait3A_469 = tpu.memref_slice %arg2[%add3A_438] : memref<25165824xf32, #tpu.memory_space<hbm>> -> memref<24576xf32, #tpu.memory_space<hbm>>
    %dma_wait3A_470 = tpu.memref_slice %arg2[%add3A_438] : memref<25165824xf32, #tpu.memory_space<hbm>> -> memref<24576xf32, #tpu.memory_space<hbm>>
    tpu.wait_dma2 semaphore(%arg14 : memref<!tpu.dma_semaphore, #tpu.memory_space<semaphore_mem>>) src(%dma_wait3A_470 : memref<24576xf32, #tpu.memory_space<hbm>>) dst(%arg9 : memref<24576xf32, #tpu.memory_space<vmem>>)
    %add3A_471 = arith.constant 160 : i32
    %add3A_472 = arith.addi %mul3A_2, %add3A_471 : i32
    %mul3A_473 = arith.constant 768 : i32
    %mul3A_474 = arith.muli %add3A_472, %mul3A_473 : i32
    %add3A_475 = arith.constant 0 : i32
    %add3A_476 = arith.addi %add3A_475, %mul3A_474 : i32
    %dma_start3A_477 = tpu.memref_slice %arg4[%add3A_476] : memref<25165824xf32, #tpu.memory_space<hbm>> -> memref<24576xf32, #tpu.memory_space<hbm>>
    %dma_start3A_478 = tpu.memref_slice %arg4[%add3A_476] : memref<25165824xf32, #tpu.memory_space<hbm>> -> memref<24576xf32, #tpu.memory_space<hbm>>
    tpu.enqueue_dma source(%arg9 : memref<24576xf32, #tpu.memory_space<vmem>>) target(%dma_start3A_478 : memref<24576xf32, #tpu.memory_space<hbm>>) target_semaphore(%arg17 : memref<!tpu.dma_semaphore, #tpu.memory_space<semaphore_mem>>)
    %dma_wait3A_479 = tpu.memref_slice %arg4[%add3A_448] : memref<25165824xf32, #tpu.memory_space<hbm>> -> memref<24576xf32, #tpu.memory_space<hbm>>
    %dma_wait3A_480 = tpu.memref_slice %arg4[%add3A_448] : memref<25165824xf32, #tpu.memory_space<hbm>> -> memref<24576xf32, #tpu.memory_space<hbm>>
    tpu.wait_dma2 semaphore(%arg16 : memref<!tpu.dma_semaphore, #tpu.memory_space<semaphore_mem>>) src(%arg8 : memref<24576xf32, #tpu.memory_space<vmem>>) dst(%dma_wait3A_480 : memref<24576xf32, #tpu.memory_space<hbm>>)
    %add3A_481 = arith.constant 160 : i32
    %add3A_482 = arith.addi %mul3A_2, %add3A_481 : i32
    %mul3A_483 = arith.constant 768 : i32
    %mul3A_484 = arith.muli %add3A_482, %mul3A_483 : i32
    %add3A_485 = arith.constant 12582912 : i32
    %add3A_486 = arith.addi %add3A_485, %mul3A_484 : i32
    %dma_start3A_487 = tpu.memref_slice %arg2[%add3A_486] : memref<25165824xf32, #tpu.memory_space<hbm>> -> memref<24576xf32, #tpu.memory_space<hbm>>
    %dma_start3A_488 = tpu.memref_slice %arg2[%add3A_486] : memref<25165824xf32, #tpu.memory_space<hbm>> -> memref<24576xf32, #tpu.memory_space<hbm>>
    tpu.enqueue_dma source(%dma_start3A_488 : memref<24576xf32, #tpu.memory_space<hbm>>) target(%arg8 : memref<24576xf32, #tpu.memory_space<vmem>>) target_semaphore(%arg13 : memref<!tpu.dma_semaphore, #tpu.memory_space<semaphore_mem>>)
    %dma_wait3A_489 = tpu.memref_slice %arg2[%add3A_458] : memref<25165824xf32, #tpu.memory_space<hbm>> -> memref<24576xf32, #tpu.memory_space<hbm>>
    %dma_wait3A_490 = tpu.memref_slice %arg2[%add3A_458] : memref<25165824xf32, #tpu.memory_space<hbm>> -> memref<24576xf32, #tpu.memory_space<hbm>>
    tpu.wait_dma2 semaphore(%arg12 : memref<!tpu.dma_semaphore, #tpu.memory_space<semaphore_mem>>) src(%dma_wait3A_490 : memref<24576xf32, #tpu.memory_space<hbm>>) dst(%arg7 : memref<24576xf32, #tpu.memory_space<vmem>>)
    %add3A_491 = arith.constant 160 : i32
    %add3A_492 = arith.addi %mul3A_2, %add3A_491 : i32
    %mul3A_493 = arith.constant 768 : i32
    %mul3A_494 = arith.muli %add3A_492, %mul3A_493 : i32
    %add3A_495 = arith.constant 6291456 : i32
    %add3A_496 = arith.addi %add3A_495, %mul3A_494 : i32
    %dma_start3A_497 = tpu.memref_slice %arg4[%add3A_496] : memref<25165824xf32, #tpu.memory_space<hbm>> -> memref<24576xf32, #tpu.memory_space<hbm>>
    %dma_start3A_498 = tpu.memref_slice %arg4[%add3A_496] : memref<25165824xf32, #tpu.memory_space<hbm>> -> memref<24576xf32, #tpu.memory_space<hbm>>
    tpu.enqueue_dma source(%arg7 : memref<24576xf32, #tpu.memory_space<vmem>>) target(%dma_start3A_498 : memref<24576xf32, #tpu.memory_space<hbm>>) target_semaphore(%arg15 : memref<!tpu.dma_semaphore, #tpu.memory_space<semaphore_mem>>)
    %dma_wait3A_499 = tpu.memref_slice %arg4[%add3A_476] : memref<25165824xf32, #tpu.memory_space<hbm>> -> memref<24576xf32, #tpu.memory_space<hbm>>
    %dma_wait3A_500 = tpu.memref_slice %arg4[%add3A_476] : memref<25165824xf32, #tpu.memory_space<hbm>> -> memref<24576xf32, #tpu.memory_space<hbm>>
    tpu.wait_dma2 semaphore(%arg17 : memref<!tpu.dma_semaphore, #tpu.memory_space<semaphore_mem>>) src(%arg9 : memref<24576xf32, #tpu.memory_space<vmem>>) dst(%dma_wait3A_500 : memref<24576xf32, #tpu.memory_space<hbm>>)
    %add3A_501 = arith.constant 160 : i32
    %add3A_502 = arith.addi %mul3A_2, %add3A_501 : i32
    %mul3A_503 = arith.constant 768 : i32
    %mul3A_504 = arith.muli %add3A_502, %mul3A_503 : i32
    %add3A_505 = arith.constant 18874368 : i32
    %add3A_506 = arith.addi %add3A_505, %mul3A_504 : i32
    %dma_start3A_507 = tpu.memref_slice %arg2[%add3A_506] : memref<25165824xf32, #tpu.memory_space<hbm>> -> memref<24576xf32, #tpu.memory_space<hbm>>
    %dma_start3A_508 = tpu.memref_slice %arg2[%add3A_506] : memref<25165824xf32, #tpu.memory_space<hbm>> -> memref<24576xf32, #tpu.memory_space<hbm>>
    tpu.enqueue_dma source(%dma_start3A_508 : memref<24576xf32, #tpu.memory_space<hbm>>) target(%arg9 : memref<24576xf32, #tpu.memory_space<vmem>>) target_semaphore(%arg14 : memref<!tpu.dma_semaphore, #tpu.memory_space<semaphore_mem>>)
    %dma_wait3A_509 = tpu.memref_slice %arg2[%add3A_486] : memref<25165824xf32, #tpu.memory_space<hbm>> -> memref<24576xf32, #tpu.memory_space<hbm>>
    %dma_wait3A_510 = tpu.memref_slice %arg2[%add3A_486] : memref<25165824xf32, #tpu.memory_space<hbm>> -> memref<24576xf32, #tpu.memory_space<hbm>>
    tpu.wait_dma2 semaphore(%arg13 : memref<!tpu.dma_semaphore, #tpu.memory_space<semaphore_mem>>) src(%dma_wait3A_510 : memref<24576xf32, #tpu.memory_space<hbm>>) dst(%arg8 : memref<24576xf32, #tpu.memory_space<vmem>>)
    %add3A_511 = arith.constant 160 : i32
    %add3A_512 = arith.addi %mul3A_2, %add3A_511 : i32
    %mul3A_513 = arith.constant 768 : i32
    %mul3A_514 = arith.muli %add3A_512, %mul3A_513 : i32
    %add3A_515 = arith.constant 12582912 : i32
    %add3A_516 = arith.addi %add3A_515, %mul3A_514 : i32
    %dma_start3A_517 = tpu.memref_slice %arg4[%add3A_516] : memref<25165824xf32, #tpu.memory_space<hbm>> -> memref<24576xf32, #tpu.memory_space<hbm>>
    %dma_start3A_518 = tpu.memref_slice %arg4[%add3A_516] : memref<25165824xf32, #tpu.memory_space<hbm>> -> memref<24576xf32, #tpu.memory_space<hbm>>
    tpu.enqueue_dma source(%arg8 : memref<24576xf32, #tpu.memory_space<vmem>>) target(%dma_start3A_518 : memref<24576xf32, #tpu.memory_space<hbm>>) target_semaphore(%arg16 : memref<!tpu.dma_semaphore, #tpu.memory_space<semaphore_mem>>)
    %dma_wait3A_519 = tpu.memref_slice %arg4[%add3A_496] : memref<25165824xf32, #tpu.memory_space<hbm>> -> memref<24576xf32, #tpu.memory_space<hbm>>
    %dma_wait3A_520 = tpu.memref_slice %arg4[%add3A_496] : memref<25165824xf32, #tpu.memory_space<hbm>> -> memref<24576xf32, #tpu.memory_space<hbm>>
    tpu.wait_dma2 semaphore(%arg15 : memref<!tpu.dma_semaphore, #tpu.memory_space<semaphore_mem>>) src(%arg7 : memref<24576xf32, #tpu.memory_space<vmem>>) dst(%dma_wait3A_520 : memref<24576xf32, #tpu.memory_space<hbm>>)
    %add3A_521 = arith.constant 192 : i32
    %add3A_522 = arith.addi %mul3A_2, %add3A_521 : i32
    %mul3A_523 = arith.constant 768 : i32
    %mul3A_524 = arith.muli %add3A_522, %mul3A_523 : i32
    %add3A_525 = arith.constant 0 : i32
    %add3A_526 = arith.addi %add3A_525, %mul3A_524 : i32
    %dma_start3A_527 = tpu.memref_slice %arg2[%add3A_526] : memref<25165824xf32, #tpu.memory_space<hbm>> -> memref<24576xf32, #tpu.memory_space<hbm>>
    %dma_start3A_528 = tpu.memref_slice %arg2[%add3A_526] : memref<25165824xf32, #tpu.memory_space<hbm>> -> memref<24576xf32, #tpu.memory_space<hbm>>
    tpu.enqueue_dma source(%dma_start3A_528 : memref<24576xf32, #tpu.memory_space<hbm>>) target(%arg7 : memref<24576xf32, #tpu.memory_space<vmem>>) target_semaphore(%arg12 : memref<!tpu.dma_semaphore, #tpu.memory_space<semaphore_mem>>)
    %dma_wait3A_529 = tpu.memref_slice %arg2[%add3A_506] : memref<25165824xf32, #tpu.memory_space<hbm>> -> memref<24576xf32, #tpu.memory_space<hbm>>
    %dma_wait3A_530 = tpu.memref_slice %arg2[%add3A_506] : memref<25165824xf32, #tpu.memory_space<hbm>> -> memref<24576xf32, #tpu.memory_space<hbm>>
    tpu.wait_dma2 semaphore(%arg14 : memref<!tpu.dma_semaphore, #tpu.memory_space<semaphore_mem>>) src(%dma_wait3A_530 : memref<24576xf32, #tpu.memory_space<hbm>>) dst(%arg9 : memref<24576xf32, #tpu.memory_space<vmem>>)
    %add3A_531 = arith.constant 160 : i32
    %add3A_532 = arith.addi %mul3A_2, %add3A_531 : i32
    %mul3A_533 = arith.constant 768 : i32
    %mul3A_534 = arith.muli %add3A_532, %mul3A_533 : i32
    %add3A_535 = arith.constant 18874368 : i32
    %add3A_536 = arith.addi %add3A_535, %mul3A_534 : i32
    %dma_start3A_537 = tpu.memref_slice %arg4[%add3A_536] : memref<25165824xf32, #tpu.memory_space<hbm>> -> memref<24576xf32, #tpu.memory_space<hbm>>
    %dma_start3A_538 = tpu.memref_slice %arg4[%add3A_536] : memref<25165824xf32, #tpu.memory_space<hbm>> -> memref<24576xf32, #tpu.memory_space<hbm>>
    tpu.enqueue_dma source(%arg9 : memref<24576xf32, #tpu.memory_space<vmem>>) target(%dma_start3A_538 : memref<24576xf32, #tpu.memory_space<hbm>>) target_semaphore(%arg17 : memref<!tpu.dma_semaphore, #tpu.memory_space<semaphore_mem>>)
    %dma_wait3A_539 = tpu.memref_slice %arg4[%add3A_516] : memref<25165824xf32, #tpu.memory_space<hbm>> -> memref<24576xf32, #tpu.memory_space<hbm>>
    %dma_wait3A_540 = tpu.memref_slice %arg4[%add3A_516] : memref<25165824xf32, #tpu.memory_space<hbm>> -> memref<24576xf32, #tpu.memory_space<hbm>>
    tpu.wait_dma2 semaphore(%arg16 : memref<!tpu.dma_semaphore, #tpu.memory_space<semaphore_mem>>) src(%arg8 : memref<24576xf32, #tpu.memory_space<vmem>>) dst(%dma_wait3A_540 : memref<24576xf32, #tpu.memory_space<hbm>>)
    %add3A_541 = arith.constant 192 : i32
    %add3A_542 = arith.addi %mul3A_2, %add3A_541 : i32
    %mul3A_543 = arith.constant 768 : i32
    %mul3A_544 = arith.muli %add3A_542, %mul3A_543 : i32
    %add3A_545 = arith.constant 6291456 : i32
    %add3A_546 = arith.addi %add3A_545, %mul3A_544 : i32
    %dma_start3A_547 = tpu.memref_slice %arg2[%add3A_546] : memref<25165824xf32, #tpu.memory_space<hbm>> -> memref<24576xf32, #tpu.memory_space<hbm>>
    %dma_start3A_548 = tpu.memref_slice %arg2[%add3A_546] : memref<25165824xf32, #tpu.memory_space<hbm>> -> memref<24576xf32, #tpu.memory_space<hbm>>
    tpu.enqueue_dma source(%dma_start3A_548 : memref<24576xf32, #tpu.memory_space<hbm>>) target(%arg8 : memref<24576xf32, #tpu.memory_space<vmem>>) target_semaphore(%arg13 : memref<!tpu.dma_semaphore, #tpu.memory_space<semaphore_mem>>)
    %add3A_549 = arith.constant 224 : i32
    %add3A_550 = arith.addi %mul3A_2, %add3A_549 : i32
    %mul3A_551 = arith.constant 768 : i32
    %mul3A_552 = arith.muli %add3A_550, %mul3A_551 : i32
    %dma_start3A_553 = tpu.memref_slice %arg3[%mul3A_552] : memref<6291456xf32, #tpu.memory_space<hbm>> -> memref<24576xf32, #tpu.memory_space<hbm>>
    %dma_start3A_554 = tpu.memref_slice %arg3[%mul3A_552] : memref<6291456xf32, #tpu.memory_space<hbm>> -> memref<24576xf32, #tpu.memory_space<hbm>>
    tpu.enqueue_dma source(%dma_start3A_554 : memref<24576xf32, #tpu.memory_space<hbm>>) target(%arg6 : memref<24576xf32, #tpu.memory_space<vmem>>) target_semaphore(%arg11 : memref<!tpu.dma_semaphore, #tpu.memory_space<semaphore_mem>>)
    %dma_wait3A_555 = tpu.memref_slice %arg3[%mul3A_464] : memref<6291456xf32, #tpu.memory_space<hbm>> -> memref<24576xf32, #tpu.memory_space<hbm>>
    %dma_wait3A_556 = tpu.memref_slice %arg3[%mul3A_464] : memref<6291456xf32, #tpu.memory_space<hbm>> -> memref<24576xf32, #tpu.memory_space<hbm>>
    tpu.wait_dma2 semaphore(%arg10 : memref<!tpu.dma_semaphore, #tpu.memory_space<semaphore_mem>>) src(%dma_wait3A_556 : memref<24576xf32, #tpu.memory_space<hbm>>) dst(%arg5 : memref<24576xf32, #tpu.memory_space<vmem>>)
    %dma_wait3A_557 = tpu.memref_slice %arg2[%add3A_526] : memref<25165824xf32, #tpu.memory_space<hbm>> -> memref<24576xf32, #tpu.memory_space<hbm>>
    %dma_wait3A_558 = tpu.memref_slice %arg2[%add3A_526] : memref<25165824xf32, #tpu.memory_space<hbm>> -> memref<24576xf32, #tpu.memory_space<hbm>>
    tpu.wait_dma2 semaphore(%arg12 : memref<!tpu.dma_semaphore, #tpu.memory_space<semaphore_mem>>) src(%dma_wait3A_558 : memref<24576xf32, #tpu.memory_space<hbm>>) dst(%arg7 : memref<24576xf32, #tpu.memory_space<vmem>>)
    %add3A_559 = arith.constant 192 : i32
    %add3A_560 = arith.addi %mul3A_2, %add3A_559 : i32
    %mul3A_561 = arith.constant 768 : i32
    %mul3A_562 = arith.muli %add3A_560, %mul3A_561 : i32
    %add3A_563 = arith.constant 0 : i32
    %add3A_564 = arith.addi %add3A_563, %mul3A_562 : i32
    %dma_start3A_565 = tpu.memref_slice %arg4[%add3A_564] : memref<25165824xf32, #tpu.memory_space<hbm>> -> memref<24576xf32, #tpu.memory_space<hbm>>
    %dma_start3A_566 = tpu.memref_slice %arg4[%add3A_564] : memref<25165824xf32, #tpu.memory_space<hbm>> -> memref<24576xf32, #tpu.memory_space<hbm>>
    tpu.enqueue_dma source(%arg7 : memref<24576xf32, #tpu.memory_space<vmem>>) target(%dma_start3A_566 : memref<24576xf32, #tpu.memory_space<hbm>>) target_semaphore(%arg15 : memref<!tpu.dma_semaphore, #tpu.memory_space<semaphore_mem>>)
    %dma_wait3A_567 = tpu.memref_slice %arg4[%add3A_536] : memref<25165824xf32, #tpu.memory_space<hbm>> -> memref<24576xf32, #tpu.memory_space<hbm>>
    %dma_wait3A_568 = tpu.memref_slice %arg4[%add3A_536] : memref<25165824xf32, #tpu.memory_space<hbm>> -> memref<24576xf32, #tpu.memory_space<hbm>>
    tpu.wait_dma2 semaphore(%arg17 : memref<!tpu.dma_semaphore, #tpu.memory_space<semaphore_mem>>) src(%arg9 : memref<24576xf32, #tpu.memory_space<vmem>>) dst(%dma_wait3A_568 : memref<24576xf32, #tpu.memory_space<hbm>>)
    %add3A_569 = arith.constant 192 : i32
    %add3A_570 = arith.addi %mul3A_2, %add3A_569 : i32
    %mul3A_571 = arith.constant 768 : i32
    %mul3A_572 = arith.muli %add3A_570, %mul3A_571 : i32
    %add3A_573 = arith.constant 12582912 : i32
    %add3A_574 = arith.addi %add3A_573, %mul3A_572 : i32
    %dma_start3A_575 = tpu.memref_slice %arg2[%add3A_574] : memref<25165824xf32, #tpu.memory_space<hbm>> -> memref<24576xf32, #tpu.memory_space<hbm>>
    %dma_start3A_576 = tpu.memref_slice %arg2[%add3A_574] : memref<25165824xf32, #tpu.memory_space<hbm>> -> memref<24576xf32, #tpu.memory_space<hbm>>
    tpu.enqueue_dma source(%dma_start3A_576 : memref<24576xf32, #tpu.memory_space<hbm>>) target(%arg9 : memref<24576xf32, #tpu.memory_space<vmem>>) target_semaphore(%arg14 : memref<!tpu.dma_semaphore, #tpu.memory_space<semaphore_mem>>)
    %dma_wait3A_577 = tpu.memref_slice %arg2[%add3A_546] : memref<25165824xf32, #tpu.memory_space<hbm>> -> memref<24576xf32, #tpu.memory_space<hbm>>
    %dma_wait3A_578 = tpu.memref_slice %arg2[%add3A_546] : memref<25165824xf32, #tpu.memory_space<hbm>> -> memref<24576xf32, #tpu.memory_space<hbm>>
    tpu.wait_dma2 semaphore(%arg13 : memref<!tpu.dma_semaphore, #tpu.memory_space<semaphore_mem>>) src(%dma_wait3A_578 : memref<24576xf32, #tpu.memory_space<hbm>>) dst(%arg8 : memref<24576xf32, #tpu.memory_space<vmem>>)
    %add3A_579 = arith.constant 192 : i32
    %add3A_580 = arith.addi %mul3A_2, %add3A_579 : i32
    %mul3A_581 = arith.constant 768 : i32
    %mul3A_582 = arith.muli %add3A_580, %mul3A_581 : i32
    %add3A_583 = arith.constant 6291456 : i32
    %add3A_584 = arith.addi %add3A_583, %mul3A_582 : i32
    %dma_start3A_585 = tpu.memref_slice %arg4[%add3A_584] : memref<25165824xf32, #tpu.memory_space<hbm>> -> memref<24576xf32, #tpu.memory_space<hbm>>
    %dma_start3A_586 = tpu.memref_slice %arg4[%add3A_584] : memref<25165824xf32, #tpu.memory_space<hbm>> -> memref<24576xf32, #tpu.memory_space<hbm>>
    tpu.enqueue_dma source(%arg8 : memref<24576xf32, #tpu.memory_space<vmem>>) target(%dma_start3A_586 : memref<24576xf32, #tpu.memory_space<hbm>>) target_semaphore(%arg16 : memref<!tpu.dma_semaphore, #tpu.memory_space<semaphore_mem>>)
    %dma_wait3A_587 = tpu.memref_slice %arg4[%add3A_564] : memref<25165824xf32, #tpu.memory_space<hbm>> -> memref<24576xf32, #tpu.memory_space<hbm>>
    %dma_wait3A_588 = tpu.memref_slice %arg4[%add3A_564] : memref<25165824xf32, #tpu.memory_space<hbm>> -> memref<24576xf32, #tpu.memory_space<hbm>>
    tpu.wait_dma2 semaphore(%arg15 : memref<!tpu.dma_semaphore, #tpu.memory_space<semaphore_mem>>) src(%arg7 : memref<24576xf32, #tpu.memory_space<vmem>>) dst(%dma_wait3A_588 : memref<24576xf32, #tpu.memory_space<hbm>>)
    %add3A_589 = arith.constant 192 : i32
    %add3A_590 = arith.addi %mul3A_2, %add3A_589 : i32
    %mul3A_591 = arith.constant 768 : i32
    %mul3A_592 = arith.muli %add3A_590, %mul3A_591 : i32
    %add3A_593 = arith.constant 18874368 : i32
    %add3A_594 = arith.addi %add3A_593, %mul3A_592 : i32
    %dma_start3A_595 = tpu.memref_slice %arg2[%add3A_594] : memref<25165824xf32, #tpu.memory_space<hbm>> -> memref<24576xf32, #tpu.memory_space<hbm>>
    %dma_start3A_596 = tpu.memref_slice %arg2[%add3A_594] : memref<25165824xf32, #tpu.memory_space<hbm>> -> memref<24576xf32, #tpu.memory_space<hbm>>
    tpu.enqueue_dma source(%dma_start3A_596 : memref<24576xf32, #tpu.memory_space<hbm>>) target(%arg7 : memref<24576xf32, #tpu.memory_space<vmem>>) target_semaphore(%arg12 : memref<!tpu.dma_semaphore, #tpu.memory_space<semaphore_mem>>)
    %dma_wait3A_597 = tpu.memref_slice %arg2[%add3A_574] : memref<25165824xf32, #tpu.memory_space<hbm>> -> memref<24576xf32, #tpu.memory_space<hbm>>
    %dma_wait3A_598 = tpu.memref_slice %arg2[%add3A_574] : memref<25165824xf32, #tpu.memory_space<hbm>> -> memref<24576xf32, #tpu.memory_space<hbm>>
    tpu.wait_dma2 semaphore(%arg14 : memref<!tpu.dma_semaphore, #tpu.memory_space<semaphore_mem>>) src(%dma_wait3A_598 : memref<24576xf32, #tpu.memory_space<hbm>>) dst(%arg9 : memref<24576xf32, #tpu.memory_space<vmem>>)
    %add3A_599 = arith.constant 192 : i32
    %add3A_600 = arith.addi %mul3A_2, %add3A_599 : i32
    %mul3A_601 = arith.constant 768 : i32
    %mul3A_602 = arith.muli %add3A_600, %mul3A_601 : i32
    %add3A_603 = arith.constant 12582912 : i32
    %add3A_604 = arith.addi %add3A_603, %mul3A_602 : i32
    %dma_start3A_605 = tpu.memref_slice %arg4[%add3A_604] : memref<25165824xf32, #tpu.memory_space<hbm>> -> memref<24576xf32, #tpu.memory_space<hbm>>
    %dma_start3A_606 = tpu.memref_slice %arg4[%add3A_604] : memref<25165824xf32, #tpu.memory_space<hbm>> -> memref<24576xf32, #tpu.memory_space<hbm>>
    tpu.enqueue_dma source(%arg9 : memref<24576xf32, #tpu.memory_space<vmem>>) target(%dma_start3A_606 : memref<24576xf32, #tpu.memory_space<hbm>>) target_semaphore(%arg17 : memref<!tpu.dma_semaphore, #tpu.memory_space<semaphore_mem>>)
    %dma_wait3A_607 = tpu.memref_slice %arg4[%add3A_584] : memref<25165824xf32, #tpu.memory_space<hbm>> -> memref<24576xf32, #tpu.memory_space<hbm>>
    %dma_wait3A_608 = tpu.memref_slice %arg4[%add3A_584] : memref<25165824xf32, #tpu.memory_space<hbm>> -> memref<24576xf32, #tpu.memory_space<hbm>>
    tpu.wait_dma2 semaphore(%arg16 : memref<!tpu.dma_semaphore, #tpu.memory_space<semaphore_mem>>) src(%arg8 : memref<24576xf32, #tpu.memory_space<vmem>>) dst(%dma_wait3A_608 : memref<24576xf32, #tpu.memory_space<hbm>>)
    %add3A_609 = arith.constant 224 : i32
    %add3A_610 = arith.addi %mul3A_2, %add3A_609 : i32
    %mul3A_611 = arith.constant 768 : i32
    %mul3A_612 = arith.muli %add3A_610, %mul3A_611 : i32
    %add3A_613 = arith.constant 0 : i32
    %add3A_614 = arith.addi %add3A_613, %mul3A_612 : i32
    %dma_start3A_615 = tpu.memref_slice %arg2[%add3A_614] : memref<25165824xf32, #tpu.memory_space<hbm>> -> memref<24576xf32, #tpu.memory_space<hbm>>
    %dma_start3A_616 = tpu.memref_slice %arg2[%add3A_614] : memref<25165824xf32, #tpu.memory_space<hbm>> -> memref<24576xf32, #tpu.memory_space<hbm>>
    tpu.enqueue_dma source(%dma_start3A_616 : memref<24576xf32, #tpu.memory_space<hbm>>) target(%arg8 : memref<24576xf32, #tpu.memory_space<vmem>>) target_semaphore(%arg13 : memref<!tpu.dma_semaphore, #tpu.memory_space<semaphore_mem>>)
    %dma_wait3A_617 = tpu.memref_slice %arg2[%add3A_594] : memref<25165824xf32, #tpu.memory_space<hbm>> -> memref<24576xf32, #tpu.memory_space<hbm>>
    %dma_wait3A_618 = tpu.memref_slice %arg2[%add3A_594] : memref<25165824xf32, #tpu.memory_space<hbm>> -> memref<24576xf32, #tpu.memory_space<hbm>>
    tpu.wait_dma2 semaphore(%arg12 : memref<!tpu.dma_semaphore, #tpu.memory_space<semaphore_mem>>) src(%dma_wait3A_618 : memref<24576xf32, #tpu.memory_space<hbm>>) dst(%arg7 : memref<24576xf32, #tpu.memory_space<vmem>>)
    %add3A_619 = arith.constant 192 : i32
    %add3A_620 = arith.addi %mul3A_2, %add3A_619 : i32
    %mul3A_621 = arith.constant 768 : i32
    %mul3A_622 = arith.muli %add3A_620, %mul3A_621 : i32
    %add3A_623 = arith.constant 18874368 : i32
    %add3A_624 = arith.addi %add3A_623, %mul3A_622 : i32
    %dma_start3A_625 = tpu.memref_slice %arg4[%add3A_624] : memref<25165824xf32, #tpu.memory_space<hbm>> -> memref<24576xf32, #tpu.memory_space<hbm>>
    %dma_start3A_626 = tpu.memref_slice %arg4[%add3A_624] : memref<25165824xf32, #tpu.memory_space<hbm>> -> memref<24576xf32, #tpu.memory_space<hbm>>
    tpu.enqueue_dma source(%arg7 : memref<24576xf32, #tpu.memory_space<vmem>>) target(%dma_start3A_626 : memref<24576xf32, #tpu.memory_space<hbm>>) target_semaphore(%arg15 : memref<!tpu.dma_semaphore, #tpu.memory_space<semaphore_mem>>)
    %dma_wait3A_627 = tpu.memref_slice %arg4[%add3A_604] : memref<25165824xf32, #tpu.memory_space<hbm>> -> memref<24576xf32, #tpu.memory_space<hbm>>
    %dma_wait3A_628 = tpu.memref_slice %arg4[%add3A_604] : memref<25165824xf32, #tpu.memory_space<hbm>> -> memref<24576xf32, #tpu.memory_space<hbm>>
    tpu.wait_dma2 semaphore(%arg17 : memref<!tpu.dma_semaphore, #tpu.memory_space<semaphore_mem>>) src(%arg9 : memref<24576xf32, #tpu.memory_space<vmem>>) dst(%dma_wait3A_628 : memref<24576xf32, #tpu.memory_space<hbm>>)
    %add3A_629 = arith.constant 224 : i32
    %add3A_630 = arith.addi %mul3A_2, %add3A_629 : i32
    %mul3A_631 = arith.constant 768 : i32
    %mul3A_632 = arith.muli %add3A_630, %mul3A_631 : i32
    %add3A_633 = arith.constant 6291456 : i32
    %add3A_634 = arith.addi %add3A_633, %mul3A_632 : i32
    %dma_start3A_635 = tpu.memref_slice %arg2[%add3A_634] : memref<25165824xf32, #tpu.memory_space<hbm>> -> memref<24576xf32, #tpu.memory_space<hbm>>
    %dma_start3A_636 = tpu.memref_slice %arg2[%add3A_634] : memref<25165824xf32, #tpu.memory_space<hbm>> -> memref<24576xf32, #tpu.memory_space<hbm>>
    tpu.enqueue_dma source(%dma_start3A_636 : memref<24576xf32, #tpu.memory_space<hbm>>) target(%arg9 : memref<24576xf32, #tpu.memory_space<vmem>>) target_semaphore(%arg14 : memref<!tpu.dma_semaphore, #tpu.memory_space<semaphore_mem>>)
    %dma_wait3A_637 = tpu.memref_slice %arg3[%mul3A_552] : memref<6291456xf32, #tpu.memory_space<hbm>> -> memref<24576xf32, #tpu.memory_space<hbm>>
    %dma_wait3A_638 = tpu.memref_slice %arg3[%mul3A_552] : memref<6291456xf32, #tpu.memory_space<hbm>> -> memref<24576xf32, #tpu.memory_space<hbm>>
    tpu.wait_dma2 semaphore(%arg11 : memref<!tpu.dma_semaphore, #tpu.memory_space<semaphore_mem>>) src(%dma_wait3A_638 : memref<24576xf32, #tpu.memory_space<hbm>>) dst(%arg6 : memref<24576xf32, #tpu.memory_space<vmem>>)
    %dma_wait3A_639 = tpu.memref_slice %arg2[%add3A_614] : memref<25165824xf32, #tpu.memory_space<hbm>> -> memref<24576xf32, #tpu.memory_space<hbm>>
    %dma_wait3A_640 = tpu.memref_slice %arg2[%add3A_614] : memref<25165824xf32, #tpu.memory_space<hbm>> -> memref<24576xf32, #tpu.memory_space<hbm>>
    tpu.wait_dma2 semaphore(%arg13 : memref<!tpu.dma_semaphore, #tpu.memory_space<semaphore_mem>>) src(%dma_wait3A_640 : memref<24576xf32, #tpu.memory_space<hbm>>) dst(%arg8 : memref<24576xf32, #tpu.memory_space<vmem>>)
    %add3A_641 = arith.constant 224 : i32
    %add3A_642 = arith.addi %mul3A_2, %add3A_641 : i32
    %mul3A_643 = arith.constant 768 : i32
    %mul3A_644 = arith.muli %add3A_642, %mul3A_643 : i32
    %add3A_645 = arith.constant 0 : i32
    %add3A_646 = arith.addi %add3A_645, %mul3A_644 : i32
    %dma_start3A_647 = tpu.memref_slice %arg4[%add3A_646] : memref<25165824xf32, #tpu.memory_space<hbm>> -> memref<24576xf32, #tpu.memory_space<hbm>>
    %dma_start3A_648 = tpu.memref_slice %arg4[%add3A_646] : memref<25165824xf32, #tpu.memory_space<hbm>> -> memref<24576xf32, #tpu.memory_space<hbm>>
    tpu.enqueue_dma source(%arg8 : memref<24576xf32, #tpu.memory_space<vmem>>) target(%dma_start3A_648 : memref<24576xf32, #tpu.memory_space<hbm>>) target_semaphore(%arg16 : memref<!tpu.dma_semaphore, #tpu.memory_space<semaphore_mem>>)
    %dma_wait3A_649 = tpu.memref_slice %arg4[%add3A_624] : memref<25165824xf32, #tpu.memory_space<hbm>> -> memref<24576xf32, #tpu.memory_space<hbm>>
    %dma_wait3A_650 = tpu.memref_slice %arg4[%add3A_624] : memref<25165824xf32, #tpu.memory_space<hbm>> -> memref<24576xf32, #tpu.memory_space<hbm>>
    tpu.wait_dma2 semaphore(%arg15 : memref<!tpu.dma_semaphore, #tpu.memory_space<semaphore_mem>>) src(%arg7 : memref<24576xf32, #tpu.memory_space<vmem>>) dst(%dma_wait3A_650 : memref<24576xf32, #tpu.memory_space<hbm>>)
    %add3A_651 = arith.constant 224 : i32
    %add3A_652 = arith.addi %mul3A_2, %add3A_651 : i32
    %mul3A_653 = arith.constant 768 : i32
    %mul3A_654 = arith.muli %add3A_652, %mul3A_653 : i32
    %add3A_655 = arith.constant 12582912 : i32
    %add3A_656 = arith.addi %add3A_655, %mul3A_654 : i32
    %dma_start3A_657 = tpu.memref_slice %arg2[%add3A_656] : memref<25165824xf32, #tpu.memory_space<hbm>> -> memref<24576xf32, #tpu.memory_space<hbm>>
    %dma_start3A_658 = tpu.memref_slice %arg2[%add3A_656] : memref<25165824xf32, #tpu.memory_space<hbm>> -> memref<24576xf32, #tpu.memory_space<hbm>>
    tpu.enqueue_dma source(%dma_start3A_658 : memref<24576xf32, #tpu.memory_space<hbm>>) target(%arg7 : memref<24576xf32, #tpu.memory_space<vmem>>) target_semaphore(%arg12 : memref<!tpu.dma_semaphore, #tpu.memory_space<semaphore_mem>>)
    %dma_wait3A_659 = tpu.memref_slice %arg2[%add3A_634] : memref<25165824xf32, #tpu.memory_space<hbm>> -> memref<24576xf32, #tpu.memory_space<hbm>>
    %dma_wait3A_660 = tpu.memref_slice %arg2[%add3A_634] : memref<25165824xf32, #tpu.memory_space<hbm>> -> memref<24576xf32, #tpu.memory_space<hbm>>
    tpu.wait_dma2 semaphore(%arg14 : memref<!tpu.dma_semaphore, #tpu.memory_space<semaphore_mem>>) src(%dma_wait3A_660 : memref<24576xf32, #tpu.memory_space<hbm>>) dst(%arg9 : memref<24576xf32, #tpu.memory_space<vmem>>)
    %add3A_661 = arith.constant 224 : i32
    %add3A_662 = arith.addi %mul3A_2, %add3A_661 : i32
    %mul3A_663 = arith.constant 768 : i32
    %mul3A_664 = arith.muli %add3A_662, %mul3A_663 : i32
    %add3A_665 = arith.constant 6291456 : i32
    %add3A_666 = arith.addi %add3A_665, %mul3A_664 : i32
    %dma_start3A_667 = tpu.memref_slice %arg4[%add3A_666] : memref<25165824xf32, #tpu.memory_space<hbm>> -> memref<24576xf32, #tpu.memory_space<hbm>>
    %dma_start3A_668 = tpu.memref_slice %arg4[%add3A_666] : memref<25165824xf32, #tpu.memory_space<hbm>> -> memref<24576xf32, #tpu.memory_space<hbm>>
    tpu.enqueue_dma source(%arg9 : memref<24576xf32, #tpu.memory_space<vmem>>) target(%dma_start3A_668 : memref<24576xf32, #tpu.memory_space<hbm>>) target_semaphore(%arg17 : memref<!tpu.dma_semaphore, #tpu.memory_space<semaphore_mem>>)
    %dma_wait3A_669 = tpu.memref_slice %arg4[%add3A_646] : memref<25165824xf32, #tpu.memory_space<hbm>> -> memref<24576xf32, #tpu.memory_space<hbm>>
    %dma_wait3A_670 = tpu.memref_slice %arg4[%add3A_646] : memref<25165824xf32, #tpu.memory_space<hbm>> -> memref<24576xf32, #tpu.memory_space<hbm>>
    tpu.wait_dma2 semaphore(%arg16 : memref<!tpu.dma_semaphore, #tpu.memory_space<semaphore_mem>>) src(%arg8 : memref<24576xf32, #tpu.memory_space<vmem>>) dst(%dma_wait3A_670 : memref<24576xf32, #tpu.memory_space<hbm>>)
    %add3A_671 = arith.constant 224 : i32
    %add3A_672 = arith.addi %mul3A_2, %add3A_671 : i32
    %mul3A_673 = arith.constant 768 : i32
    %mul3A_674 = arith.muli %add3A_672, %mul3A_673 : i32
    %add3A_675 = arith.constant 18874368 : i32
    %add3A_676 = arith.addi %add3A_675, %mul3A_674 : i32
    %dma_start3A_677 = tpu.memref_slice %arg2[%add3A_676] : memref<25165824xf32, #tpu.memory_space<hbm>> -> memref<24576xf32, #tpu.memory_space<hbm>>
    %dma_start3A_678 = tpu.memref_slice %arg2[%add3A_676] : memref<25165824xf32, #tpu.memory_space<hbm>> -> memref<24576xf32, #tpu.memory_space<hbm>>
    tpu.enqueue_dma source(%dma_start3A_678 : memref<24576xf32, #tpu.memory_space<hbm>>) target(%arg8 : memref<24576xf32, #tpu.memory_space<vmem>>) target_semaphore(%arg13 : memref<!tpu.dma_semaphore, #tpu.memory_space<semaphore_mem>>)
    %dma_wait3A_679 = tpu.memref_slice %arg2[%add3A_656] : memref<25165824xf32, #tpu.memory_space<hbm>> -> memref<24576xf32, #tpu.memory_space<hbm>>
    %dma_wait3A_680 = tpu.memref_slice %arg2[%add3A_656] : memref<25165824xf32, #tpu.memory_space<hbm>> -> memref<24576xf32, #tpu.memory_space<hbm>>
    tpu.wait_dma2 semaphore(%arg12 : memref<!tpu.dma_semaphore, #tpu.memory_space<semaphore_mem>>) src(%dma_wait3A_680 : memref<24576xf32, #tpu.memory_space<hbm>>) dst(%arg7 : memref<24576xf32, #tpu.memory_space<vmem>>)
    %add3A_681 = arith.constant 224 : i32
    %add3A_682 = arith.addi %mul3A_2, %add3A_681 : i32
    %mul3A_683 = arith.constant 768 : i32
    %mul3A_684 = arith.muli %add3A_682, %mul3A_683 : i32
    %add3A_685 = arith.constant 12582912 : i32
    %add3A_686 = arith.addi %add3A_685, %mul3A_684 : i32
    %dma_start3A_687 = tpu.memref_slice %arg4[%add3A_686] : memref<25165824xf32, #tpu.memory_space<hbm>> -> memref<24576xf32, #tpu.memory_space<hbm>>
    %dma_start3A_688 = tpu.memref_slice %arg4[%add3A_686] : memref<25165824xf32, #tpu.memory_space<hbm>> -> memref<24576xf32, #tpu.memory_space<hbm>>
    tpu.enqueue_dma source(%arg7 : memref<24576xf32, #tpu.memory_space<vmem>>) target(%dma_start3A_688 : memref<24576xf32, #tpu.memory_space<hbm>>) target_semaphore(%arg15 : memref<!tpu.dma_semaphore, #tpu.memory_space<semaphore_mem>>)
    %dma_wait3A_689 = tpu.memref_slice %arg2[%add3A_676] : memref<25165824xf32, #tpu.memory_space<hbm>> -> memref<24576xf32, #tpu.memory_space<hbm>>
    %dma_wait3A_690 = tpu.memref_slice %arg2[%add3A_676] : memref<25165824xf32, #tpu.memory_space<hbm>> -> memref<24576xf32, #tpu.memory_space<hbm>>
    tpu.wait_dma2 semaphore(%arg13 : memref<!tpu.dma_semaphore, #tpu.memory_space<semaphore_mem>>) src(%dma_wait3A_690 : memref<24576xf32, #tpu.memory_space<hbm>>) dst(%arg8 : memref<24576xf32, #tpu.memory_space<vmem>>)
    %add3A_691 = arith.constant 224 : i32
    %add3A_692 = arith.addi %mul3A_2, %add3A_691 : i32
    %mul3A_693 = arith.constant 768 : i32
    %mul3A_694 = arith.muli %add3A_692, %mul3A_693 : i32
    %add3A_695 = arith.constant 18874368 : i32
    %add3A_696 = arith.addi %add3A_695, %mul3A_694 : i32
    %dma_start3A_697 = tpu.memref_slice %arg4[%add3A_696] : memref<25165824xf32, #tpu.memory_space<hbm>> -> memref<24576xf32, #tpu.memory_space<hbm>>
    %dma_start3A_698 = tpu.memref_slice %arg4[%add3A_696] : memref<25165824xf32, #tpu.memory_space<hbm>> -> memref<24576xf32, #tpu.memory_space<hbm>>
    tpu.enqueue_dma source(%arg8 : memref<24576xf32, #tpu.memory_space<vmem>>) target(%dma_start3A_698 : memref<24576xf32, #tpu.memory_space<hbm>>) target_semaphore(%arg16 : memref<!tpu.dma_semaphore, #tpu.memory_space<semaphore_mem>>)
    %dma_wait3A_699 = tpu.memref_slice %arg4[%add3A_666] : memref<25165824xf32, #tpu.memory_space<hbm>> -> memref<24576xf32, #tpu.memory_space<hbm>>
    %dma_wait3A_700 = tpu.memref_slice %arg4[%add3A_666] : memref<25165824xf32, #tpu.memory_space<hbm>> -> memref<24576xf32, #tpu.memory_space<hbm>>
    tpu.wait_dma2 semaphore(%arg17 : memref<!tpu.dma_semaphore, #tpu.memory_space<semaphore_mem>>) src(%arg9 : memref<24576xf32, #tpu.memory_space<vmem>>) dst(%dma_wait3A_700 : memref<24576xf32, #tpu.memory_space<hbm>>)
    %dma_wait3A_701 = tpu.memref_slice %arg4[%add3A_686] : memref<25165824xf32, #tpu.memory_space<hbm>> -> memref<24576xf32, #tpu.memory_space<hbm>>
    %dma_wait3A_702 = tpu.memref_slice %arg4[%add3A_686] : memref<25165824xf32, #tpu.memory_space<hbm>> -> memref<24576xf32, #tpu.memory_space<hbm>>
    tpu.wait_dma2 semaphore(%arg15 : memref<!tpu.dma_semaphore, #tpu.memory_space<semaphore_mem>>) src(%arg7 : memref<24576xf32, #tpu.memory_space<vmem>>) dst(%dma_wait3A_702 : memref<24576xf32, #tpu.memory_space<hbm>>)
    %dma_wait3A_703 = tpu.memref_slice %arg4[%add3A_696] : memref<25165824xf32, #tpu.memory_space<hbm>> -> memref<24576xf32, #tpu.memory_space<hbm>>
    %dma_wait3A_704 = tpu.memref_slice %arg4[%add3A_696] : memref<25165824xf32, #tpu.memory_space<hbm>> -> memref<24576xf32, #tpu.memory_space<hbm>>
    tpu.wait_dma2 semaphore(%arg16 : memref<!tpu.dma_semaphore, #tpu.memory_space<semaphore_mem>>) src(%arg8 : memref<24576xf32, #tpu.memory_space<vmem>>) dst(%dma_wait3A_704 : memref<24576xf32, #tpu.memory_space<hbm>>)
    return
  }
}

</mosaic_0001>

<sc_bundles>
// kernel: _sc_add.3.cloned.1.call-start
scs
__scs_entry_jumppad:
0x0: {  	(pc) =	sbr.rel $0x88, $3  }
0x1: {  	(tag) =	ssettag $0x0;
	lr =	simm.s32 $0x1  }
0x2: {  	[smem:$0x3F9F] =	sst lr;
	_ =	strace $0xD0000000  }
0x3: {  	_ = 	snop  }
0x4: {  	_ = 	snop  }
0x5: {  	_ = 	snop  }
0x6: {  	_ = 	snop  }
0x7: {  	_ = 	snop  }
__scs_overlays_trampoline_lowered:
0x8: {  	[smem:$0x3FAE] =	sst s0  }
0x9: {  	[smem:$0x3FAF] =	sst s1  }
0xa: {  	[smem:$0x3FB0] =	sst s2  }
0xb: {  	[smem:$0x3FB1] =	sst s3  }
0xc: {  	[smem:$0x3FB2] =	sst s4  }
0xd: {  	[smem:$0x3FB3] =	sst s5  }
0xe: {  	[smem:$0x3FB4] =	sst s6  }
0xf: {  	[smem:$0x3FB5] =	sst s7  }
0x10: {  	[smem:$0x3FB6] =	sst s8  }
0x11: {  	[smem:$0x3FB7] =	sst s9;
	s0 =	simm.s32 @!p0 $0x0  }
0x12: {  	s1 =	sld [smem:$0x3F9D];
	s0 =	simm.s32 @p0 $0x1  }
0x13: {  	[smem:$0x3FB8] =	sst s0;
	s0 =	simm.s32 @!p1 $0x0  }
0x14: {  	s2 =	sld [smem:$0x3F9C];
	s0 =	simm.s32 @p1 $0x1  }
0x15: {  	[smem:$0x3FB9] =	sst s0;
	s0 =	simm.s32 @!p2 $0x0  }
0x16: {  	s3 =	sld [smem:$0x3FDB];
	s0 =	simm.s32 @p2 $0x1  }
0x17: {  	s4 =	simm.s32 $0x1BF5;
	[smem:$0x3FBB] =	sst s0  }
0x18: {  	s0 =	sld [smem:$0x3F9E];
	_ =	swait.ge [sflag:s4], $0x0  }
0x19: {  	s7 =	sld [smem:$0x3F9F]  }
0x1a: {  	s8 =	sadd.s32 $0xFFFFE003, lr  }
0x1b: {  	s9 =	sadd.s32 $0xFFFFFEF7, lr;
	s5 =	simm.s32 $0xFFFFFFFF;
	p2 =	slt.u32 s8, $0xFFFFF086  }
0x1c: {  	p1 =	slt.u32 s9, $0xF7A;
	s5 =	simm.s32 @!p2 $0x0  }
0x1d: {  	s5 =	simm.s32 @p1 $0x1;
	p0 =	seq.s32 s7, s2  }
0x1e: {  	s7 =	smul.u32 @!p0 $0xF7A, s2;
	p2 =	seq.s32 @!p0 s5, $0x0  }
0x1f: {  	s9 =	smul.u32 $0xF7A, s1;
	s8 =	simm.s32 @!p0 $0x1BF5;
	p2 =	por !p2, p0  }
0x20: {  	[sflag:s8] =	ssyncset.s32 @!p0 $0xFFFFF086;
	s6 =	sadd.s32 @!p0 s3, s7;
	s7 =	simm.s32 @!p0 $0x108  }
0x21: {  	s3 =	sadd.s32 s3, s9;
	s6 =	sadd.s32 @!p0 $0x88, s6;
	s7 =	simm.s32 @p2 $0x1082  }
0x22: {  	[simem:s7], [sflag:s8] =	dma.local @!p0 [hbm:s6], $0xF7A  }
0x23: {  	s9 =	sor.u32 $0xD0000000, s2;
	s6 =	simm.s32 $0x108;
	_ =	swait.ge @!p0 [sflag:s8], $0x0  }
0x24: {  	s3 =	sadd.s32 $0x88, s3;
	s6 =	simm.s32 @!p1 $0x1082;
	[sflag:s4] =	ssyncset.s32 $0xFFFFF086  }
0x25: {  	[simem:s6], [sflag:s4] =	dma.local [hbm:s3], $0xF7A  }
0x26: {  	[smem:$0x3F9F] =	sst s1;
	(tag) =	ssettag s2;
	_ =	strace s9  }
0x27: {  	s1 =	sld [smem:$0x3FAF]  }
0x28: {  	s2 =	sld [smem:$0x3FB0]  }
0x29: {  	s4 =	sld [smem:$0x3FB2]  }
0x2a: {  	p0 =	seq.s32 s5, $0x0;
	s5 =	sld [smem:$0x3FB3]  }
0x2b: {  	s6 =	sld [smem:$0x3FB4]  }
0x2c: {  	s7 =	sld [smem:$0x3FB5]  }
0x2d: {  	s3 =	simm.s32 $0x108;
	s8 =	sld [smem:$0x3FB6]  }
0x2e: {  	s3 =	simm.s32 @!p0 $0x1082;
	s9 =	sld [smem:$0x3FB7]  }
0x2f: {  	lr =	sadd.s32 s0, s3;
	s0 =	sld [smem:$0x3FAE]  }
0x30: {  	s3 =	sld [smem:$0x3FB1]  }
0x31: {  	[smem:$0x3FBA] =	sst s10  }
0x32: {  	s10 =	sld [smem:$0x3FB8];
	_ =	sdelay $0x3  }
0x33: {  	p0 =	seq.s32 s10, $0x1;
	s10 =	sld [smem:$0x3FBA];
	_ =	sdelay $0x3  }
0x34: {  	[smem:$0x3FBA] =	sst s10  }
0x35: {  	s10 =	sld [smem:$0x3FB9];
	_ =	sdelay $0x3  }
0x36: {  	p1 =	seq.s32 s10, $0x1;
	s10 =	sld [smem:$0x3FBA];
	_ =	sdelay $0x3  }
0x37: {  	[smem:$0x3FBA] =	sst s10  }
0x38: {  	s10 =	sld [smem:$0x3FBB]  }
0x39: {  	_ = 	snop;
	(pc) =	sbr.ind lr, $3  }
0x3a: {  	_ = 	snop  }
0x3b: {  	_ = 	snop  }
0x3c: {  	p2 =	seq.s32 s10, $0x1;
	s10 =	sld [smem:$0x3FBA]  }
0x3d: {  	_ =	shalt  }
0x3e: {  	_ =	shalt  }
0x3f: {  	_ =	shalt  }
0x40: {  	_ =	shalt  }
0x41: {  	_ =	shalt  }
0x42: {  	_ =	shalt  }
0x43: {  	_ =	shalt  }
0x44: {  	_ =	shalt  }
0x45: {  	_ =	shalt  }
0x46: {  	_ =	shalt  }
0x47: {  	_ =	shalt  }
0x48: {  	_ =	shalt  }
0x49: {  	_ =	shalt  }
0x4a: {  	_ =	shalt  }
0x4b: {  	_ =	shalt  }
0x4c: {  	_ =	shalt  }
0x4d: {  	_ =	shalt  }
0x4e: {  	_ =	shalt  }
0x4f: {  	_ =	shalt  }
0x50: {  	_ =	shalt  }
0x51: {  	_ =	shalt  }
0x52: {  	_ =	shalt  }
0x53: {  	_ =	shalt  }
0x54: {  	_ =	shalt  }
0x55: {  	_ =	shalt  }
0x56: {  	_ =	shalt  }
0x57: {  	_ =	shalt  }
0x58: {  	_ =	shalt  }
0x59: {  	_ =	shalt  }
0x5a: {  	_ =	shalt  }
0x5b: {  	_ =	shalt  }
0x5c: {  	_ =	shalt  }
0x5d: {  	_ =	shalt  }
0x5e: {  	_ =	shalt  }
0x5f: {  	_ =	shalt  }
0x60: {  	_ =	shalt  }
0x61: {  	_ =	shalt  }
0x62: {  	_ =	shalt  }
0x63: {  	_ =	shalt  }
0x64: {  	_ =	shalt  }
0x65: {  	_ =	shalt  }
0x66: {  	_ =	shalt  }
0x67: {  	_ =	shalt  }
0x68: {  	_ =	shalt  }
0x69: {  	_ =	shalt  }
0x6a: {  	_ =	shalt  }
0x6b: {  	_ =	shalt  }
0x6c: {  	_ =	shalt  }
0x6d: {  	_ =	shalt  }
0x6e: {  	_ =	shalt  }
0x6f: {  	_ =	shalt  }
0x70: {  	_ =	shalt  }
0x71: {  	_ =	shalt  }
0x72: {  	_ =	shalt  }
0x73: {  	_ =	shalt  }
0x74: {  	_ =	shalt  }
0x75: {  	_ =	shalt  }
0x76: {  	_ =	shalt  }
0x77: {  	_ =	shalt  }
0x78: {  	_ =	shalt  }
0x79: {  	_ =	shalt  }
0x7a: {  	_ =	shalt  }
0x7b: {  	_ =	shalt  }
0x7c: {  	_ =	shalt  }
0x7d: {  	_ =	shalt  }
0x7e: {  	_ =	shalt  }
0x7f: {  	_ =	shalt  }
0x80: {  	_ =	shalt  }
0x81: {  	_ =	shalt  }
0x82: {  	_ =	shalt  }
0x83: {  	_ =	shalt  }
0x84: {  	_ =	shalt  }
0x85: {  	_ =	shalt  }
0x86: {  	_ =	shalt  }
0x87: {  	_ =	shalt  }
.Lfunc_end0:
.L_simem_size_0:
called_computation_lowered:
.L_overlay_start_0:
0x88: {  	s2 =	sld [smem:$0x3FD9]  }
0x89: {  	s3 =	sld [smem:$0x3FFE];
	_ =	sdelay $0x1  }
0x8a: {  	s1 =	srdreg.scid  }
0x8b: {  	s0 =	sand.u32 $0x1, s1  }
0x8c: {  	s18 =	sshll.u32 s0, $0xA;
	s2 =	sadd.s32 s3, s2  }
0x8d: {  	s2 =	sadd.s32 s2, s18  }
0x8e: {  	[smem:$0x3FC6] =	sst s2  }
0x8f: {  	_ = 	snop  }
0x90: {  	s2 =	sld [smem:$0x3FC9]  }
0x91: {  	s19 =	sld [smem:$0x3FC8]  }
0x92: {  	s4 =	sld [smem:$0x3FD0];
	(tm) =	ssettm $0x1  }
0x93: {  	s5 =	sld [smem:$0x3FFB];
	_ =	sdelay $0x3  }
0x94: {  	_ =	strace s5  }
0x95: {  	s5 =	sld [smem:$0x3FFC];
	_ =	sdelay $0x3  }
0x96: {  	_ =	strace s5  }
0x97: {  	s5 =	sld [smem:$0x3FFD];
	_ =	sdelay $0x3  }
0x98: {  	_ =	strace s5  }
0x99: {  	_ =	strace $0x8FFFFFFF  }
0x9a: {  	s20 =	sld [smem:$0x3FDB];
	_ =	sdelay $0x1  }
0x9b: {  	s6 =	simm.s32 $_scs_section_size  }
0x9c: {  	s7 =	simm.s32 $_size__tile_overlayer_lowered;
	s8 =	simm.s32 $_tile_overlayer_lowered  }
0x9d: {  	s23 =	simm.s32 $0x1BFF;
	s22 =	sshll.u32 s8, $0x1;
	s5 =	sadd.s32 s6, s20  }
0x9e: {  	s9 =	simm.s32 $0x0;
	s21 =	sshll.u32 s7, $0x1;
	s7 =	sadd.s32 s22, s5  }
0x9f: {  	[timem:s9], [sflag:s23] =	dma.local [hbm:s7], s21  }
0xa0: {  	_ =	swait.ge [sflag:s23], s21  }
0xa1: {  	s6 =	ssub.s32 $0x0, s21;
	[sflag:s23] =	ssyncset.done $0x0  }
0xa2: {  	[sflag:s23] =	ssyncadd.s32 s6;
	_ =	sdelay $0x1  }
0xa3: {  	s24 =	simm.s32 $0x1B8B  }
0xa4: {  	_ =	swait.ge [sflag:s24], $0x1  }
0xa5: {  	[sflag:s24] =	ssyncset.done $0x0  }
0xa6: {  	s25 =	simm.s32 $0x1B8E;
	[sflag:s24] =	ssyncadd.s32 $0xFFFFFFFF  }
0xa7: {  	s26 =	simm.s32 $execute0_lowered;
	[smem:$0x3FD2] =	sst s25  }
0xa8: {  	s6 =	sshll.u32 s26, $0x1;
	_ =	strace $0x80000046;
	[dreg:$0x1] =	wrdreg $0xFFFFFFFF  }
0xa9: {  	s28 =	simm.s32 $_size_execute0_lowered;
	s5 =	sadd.s32 s5, s6;
	[dreg:$0x0] =	wrdreg $0x0  }
0xaa: {  	s6 =	sshll.u32 s28, $0x1;
	[dreg:$0x2] =	wrdreg s5  }
0xab: {  	[dreg:$0x3] =	wrdreg s6  }
0xac: {  	[dreg:$0x4] =	wrdreg $0xC0  }
0xad: {  	_ =	task [dreg:s9], $0x5FFFF  }
0xae: {  	[dreg:$0x1] =	wrdreg $0xFFFFFFFF  }
0xaf: {  	[dreg:$0x0] =	wrdreg $0x60  }
0xb0: {  	[dreg:$0x2] =	wrdreg s2  }
0xb1: {  	[dreg:$0x3] =	wrdreg s19  }
0xb2: {  	[dreg:$0x4] =	wrdreg s4  }
0xb3: {  	[dreg:$0x5] =	wrdreg $0x9  }
0xb4: {  	_ =	task.clear_ibuf [dreg:s9], $0x6FFFF;
	_ =	strace $0x90000046  }
0xb5: {  	s29 =	simm.s32 $0x9;
	_ =	strace $0x80000048  }
0xb6: {  	_ =	swait.ge [sflag:s29], $0x1  }
0xb7: {  	[sflag:s29] =	ssyncadd.s32 $0xFFFFFFFF  }
0xb8: {  	_ =	strace $0x90000048  }
0xb9: {  	_ =	sfence  }
0xba: {  	s30 =	sld [smem:$0x0];
	_ =	sdelay $0x2  }
0xbb: {  	s31 =	sshll.u32 s1, $0xD;
	s1 =	sshrl.u32 s1, $0x2  }
0xbc: {  	s3 =	sand.u32 $0x4000, s31;
	s1 =	sadd.s32 s1, s30  }
0xbd: {  	s0 =	sor.u32 s3, s0;
	s1 =	sshll.u32 s1, $0x11  }
0xbe: {  	s0 =	sor.u32 s1, s0  }
0xbf: {  	s0 =	sadd.s32 $0x8F2B, s0  }
0xc0: {  	[sflag:s0] =	ssyncadd.remote.s32 $0x1  }
0xc1: {  	_ =	sfence.sel $0xFFFF  }
0xc2: {  	[dreg:$0x0] =	wrdreg $0xFFFFFFFF;
	(pc) =	sbr.abs _section_cstart, $3  }
0xc3: {  	[dreg:$0x1] =	wrdreg $0xFFFFFFFF  }
0xc4: {  	_ =	task.clear_ibuf [dreg:s9], $0x2FFFF;
	_ =	strace $0x9FFFFFFF  }
0xc5: {  	(tm) =	ssettm $0x7FFFFFFF  }
tec
execute0_lowered:
.L_overlay_start_1:
0x0: {  	(tag) =	ssettag $0x1  }
0x1: {  	s0 =	srdreg.scid;
	s2 =	stileid.u32  }
0x2: {  	s6 =	sand.u32 $0x1, s0;
	s21 =	sshll.u32 s2, $0x1  }
0x3: {  	s0 =	sor.u32 s6, s21  }
0x4: {  	s1 =	rddreg [dreg:$0x0];
	s0 =	smul.u32 $0x30000, s0  }
0x5: {  	s5 =	rddreg [dreg:$0x1]  }
0x6: {  	s3 =	rddreg [dreg:$0x2];
	s2 =	simm.s32 $0x0;
	s4 =	sshrl.u32 s0, $0x3  }
0x7: {  	[smem:$0x7FF] =	sst s2;
	s0 =	sadd.s32 s5, s4  }
0x8: {  	_ =	strace $0x80000047;
	s23 =	sadd.s32 s1, s4;
	[dreg:$0x4] =	wrdreg s0  }
0x9: {  	s7 =	sor.u32 $0xC00, s4;
	s25 =	sadd.s32 s3, s4;
	[dreg:$0x6] =	wrdreg s23  }
0xa: {  	s8 =	sadd.s32 $0xC0000, s4;
	s22 =	sadd.s32 s5, s7;
	[dreg:$0x8] =	wrdreg s25  }
0xb: {  	s9 =	sadd.s32 $0x180000, s4;
	s24 =	sadd.s32 s1, s8;
	[dreg:$0x5] =	wrdreg s22  }
0xc: {  	s26 =	sadd.s32 s1, s9;
	[dreg:$0x7] =	wrdreg s24  }
0xd: {  	s11 =	sadd.s32 $0x240000, s4;
	s10 =	sadd.s32 s3, s8;
	[dreg:$0x9] =	wrdreg s26  }
0xe: {  	s12 =	sadd.s32 s1, s11;
	[dreg:$0xa] =	wrdreg s10  }
0xf: {  	s13 =	sadd.s32 s3, s9;
	[dreg:$0xb] =	wrdreg s12  }
0x10: {  	s14 =	sadd.s32 s1, s7;
	[dreg:$0xc] =	wrdreg s13  }
0x11: {  	s16 =	sadd.s32 $0xC0C00, s4;
	s15 =	sadd.s32 s3, s11;
	[dreg:$0xd] =	wrdreg s14  }
0x12: {  	s18 =	sor.u32 $0x1800, s4;
	s17 =	sadd.s32 s1, s16;
	[dreg:$0xe] =	wrdreg s15  }
0x13: {  	s19 =	sadd.s32 s5, s18;
	[dreg:$0xf] =	wrdreg s17  }
0x14: {  	s20 =	sadd.s32 s3, s7;
	[dreg:$0x10] =	wrdreg s19  }
0x15: {  	s23 =	sadd.s32 s3, s16;
	[dreg:$0x11] =	wrdreg s20  }
0x16: {  	s7 =	sadd.s32 s1, s18;
	[dreg:$0x13] =	wrdreg s23  }
0x17: {  	s21 =	sadd.s32 $0x180C00, s4;
	[dreg:$0x16] =	wrdreg s7  }
0x18: {  	s22 =	sadd.s32 s1, s21;
	s0 =	rddreg [dreg:$0x4]  }
0x19: {  	s26 =	sadd.s32 s3, s21;
	[dreg:$0x12] =	wrdreg s22  }
0x1a: {  	s24 =	sadd.s32 $0x240C00, s4;
	s14 =	sadd.s32 s3, s18;
	[dreg:$0x15] =	wrdreg s26  }
0x1b: {  	s25 =	sadd.s32 s1, s24;
	[dreg:$0x1a] =	wrdreg s14  }
0x1c: {  	s10 =	sadd.s32 $0xC1800, s4;
	s8 =	sadd.s32 s3, s24;
	[dreg:$0x14] =	wrdreg s25  }
0x1d: {  	s12 =	sadd.s32 $0x2400, s4;
	s11 =	sadd.s32 s1, s10;
	[dreg:$0x17] =	wrdreg s8  }
0x1e: {  	s15 =	sadd.s32 $0x181800, s4;
	s13 =	sadd.s32 s5, s12;
	[dreg:$0x18] =	wrdreg s11  }
0x1f: {  	s16 =	sadd.s32 s1, s15;
	[dreg:$0x19] =	wrdreg s13  }
0x20: {  	s18 =	sadd.s32 $0x241800, s4;
	s17 =	sadd.s32 s3, s10;
	[dreg:$0x1b] =	wrdreg s16  }
0x21: {  	s19 =	sadd.s32 s1, s18;
	[dreg:$0x1c] =	wrdreg s17  }
0x22: {  	s20 =	sadd.s32 s3, s15;
	[dreg:$0x1d] =	wrdreg s19  }
0x23: {  	s21 =	sadd.s32 s1, s12;
	[dreg:$0x1e] =	wrdreg s20  }
0x24: {  	s23 =	sadd.s32 $0xC2400, s4;
	s22 =	sadd.s32 s3, s18;
	[dreg:$0x1f] =	wrdreg s21  }
0x25: {  	s24 =	sadd.s32 s1, s23;
	[smem:$0x7E2] =	sst s22  }
0x26: {  	s10 =	sadd.s32 $0x182400, s4;
	[smem:$0x7E3] =	sst s24;
	s8 =	sadd.s32 s3, s12  }
0x27: {  	s11 =	sadd.s32 s1, s10;
	[smem:$0x7E5] =	sst s8  }
0x28: {  	s29 =	simm.s32 $0x6000;
	s12 =	sadd.s32 s3, s23;
	[smem:$0x7E6] =	sst s11  }
0x29: {  	s18 =	sadd.s32 $0xC3000, s4;
	s15 =	sadd.s32 s3, s10;
	[smem:$0x7E7] =	sst s12  }
0x2a: {  	s25 =	sadd.s32 $0x3000, s4;
	s19 =	sadd.s32 s1, s18;
	[smem:$0x7E9] =	sst s15  }
0x2b: {  	s13 =	sadd.s32 $0x242400, s4;
	s26 =	sadd.s32 s5, s25;
	[smem:$0x7EC] =	sst s19  }
0x2c: {  	s31 =	simm.s32 $0x1;
	s14 =	sadd.s32 s1, s13;
	[smem:$0x7E4] =	sst s26  }
0x2d: {  	s30 =	simm.s32 $0x18000;
	s16 =	sadd.s32 s1, s25;
	[smem:$0x7E8] =	sst s14  }
0x2e: {  	s20 =	sadd.s32 $0x3C00, s4;
	s17 =	sadd.s32 s3, s13;
	[smem:$0x7EA] =	sst s16  }
0x2f: {  	p0 =	por $0x0, $0x0;
	s21 =	sadd.s32 s5, s20;
	[smem:$0x7EB] =	sst s17  }
0x30: {  	s23 =	sadd.s32 $0x183000, s4;
	s22 =	sadd.s32 s3, s25;
	[smem:$0x7ED] =	sst s21  }
0x31: {  	s6 =	ssub.s32 $0x2, s6;
	s24 =	sadd.s32 s1, s23;
	[smem:$0x7EE] =	sst s22  }
0x32: {  	s9 =	simm.s32 $0xC000;
	s25 =	sadd.s32 s3, s18;
	[smem:$0x7EF] =	sst s24  }
0x33: {  	s11 =	sadd.s32 s3, s23;
	s12 =	sadd.s32 s1, s20;
	[smem:$0x7F0] =	sst s25  }
0x34: {  	s18 =	sadd.s32 s3, s20;
	s19 =	sadd.s32 $0x183C00, s4;
	[smem:$0x7F2] =	sst s11  }
0x35: {  	s8 =	sadd.s32 $0xC4800, s4;
	s26 =	sadd.s32 $0x243000, s4;
	[smem:$0x7F3] =	sst s12  }
0x36: {  	s14 =	sadd.s32 $0xC3C00, s4;
	s16 =	sadd.s32 $0x4800, s4;
	[smem:$0x7F7] =	sst s18  }
0x37: {  	s20 =	sadd.s32 s1, s19;
	s22 =	sadd.s32 $0x243C00, s4;
	s24 =	sadd.s32 s3, s19  }
0x38: {  	s25 =	sshrl.u32 s6, $0x1;
	s28 =	sadd.s32 s1, s8;
	s11 =	sadd.s32 $0x184800, s4  }
0x39: {  	s12 =	sadd.s32 $0x244800, s4;
	s10 =	sadd.s32 s1, s26;
	[smem:$0x7F8] =	sst s20  }
0x3a: {  	s13 =	sadd.s32 s3, s26;
	s15 =	sadd.s32 s1, s14;
	[smem:$0x7FB] =	sst s24  }
0x3b: {  	s17 =	sadd.s32 s5, s16;
	s21 =	sadd.s32 s3, s14;
	[smem:$0x7F1] =	sst s10  }
0x3c: {  	s23 =	sadd.s32 s1, s22;
	s26 =	sadd.s32 s1, s16;
	[smem:$0x7F4] =	sst s13  }
0x3d: {  	s6 =	ssub.s32 s6, s25;
	s7 =	sadd.s32 s3, s22;
	[smem:$0x7F5] =	sst s15  }
0x3e: {  	s25 =	sadd.s32 s3, s16;
	s24 =	sadd.s32 s1, s11;
	[smem:$0x7F6] =	sst s17  }
0x3f: {  	s22 =	sadd.s32 s1, s12;
	s14 =	sadd.s32 $0x185400, s4;
	[smem:$0x7F9] =	sst s21  }
0x40: {  	s18 =	sadd.s32 s3, s12;
	s20 =	sadd.s32 $0x245400, s4;
	[smem:$0x7FA] =	sst s23  }
0x41: {  	s12 =	simm.s32 $0x3;
	[smem:$0x7FC] =	sst s26;
	s10 =	sadd.s32 $0x5400, s4  }
0x42: {  	[smem:$0x7FD] =	sst s7;
	s23 =	sadd.s32 s3, s8;
	s21 =	sadd.s32 s3, s11  }
0x43: {  	s13 =	sadd.s32 $0xC5400, s4;
	s11 =	sadd.s32 s1, s14;
	s26 =	smax.u32 s6, $0x1  }
0x44: {  	s7 =	sadd.s32 s1, s20;
	s4 =	sadd.s32 s3, s14;
	p1 =	sne.s32 s26, $0x1  }
.Ltmp0:
0x45: {  	s8 =	simm.s32 $0x6;
	s6 =	simm.s32 $0x7;
	(pc) =	sbr.rel @!p1 .LBB2_3-.Ltmp0, $4  }
0x46: {  	s14 =	simm.s32 $0x8;
	s17 =	sadd.s32 s5, s10;
	s19 =	sadd.s32 s1, s10  }
0x47: {  	s16 =	sadd.s32 s1, s13;
	s15 =	sadd.s32 s3, s10;
	s10 =	sadd.s32 s3, s13  }
0x48: {  	s3 =	sadd.s32 s3, s20;
	s5 =	simm.s32 $0x12000;
	s1 =	sadd.s32 $0xFFFFFFFF, s26  }
0x49: {  	s13 =	simm.s32 $0x4;
	s20 =	simm.s32 $0x5;
	s26 =	simm.s32 $0x2  }
0x4a: {  	[smem:$0x7E0] =	sst s1  }
0x4b: {  	[tilespmem:s2], [sflag:$0x1] =	stream.linear.gather [hbm4b:s0+s2], $0x6000, $0x38;
	[tilespmem:$0x1E000] =	vst v63  }
0x4c: {  	s1 =	rddreg [dreg:$0x5]  }
0x4d: {  	[tilespmem:s29], [sflag:$0x2] =	stream.linear.gather [hbm4b:s1+s2], $0x6000, $0x38;
	[tilespmem:$0x1E000] =	vst v63  }
0x4e: {  	s0 =	rddreg [dreg:$0x6]  }
0x4f: {  	[tilespmem:s9], [sflag:$0x3] =	stream.linear.gather [hbm4b:s0+s2], $0x6000, $0x38;
	[tilespmem:$0x1E000] =	vst v63  }
0x50: {  	s1 =	rddreg [dreg:$0x7]  }
0x51: {  	[tilespmem:s5], [sflag:$0x4] =	stream.linear.gather [hbm4b:s1+s2], $0x6000, $0x38;
	[tilespmem:$0x1E000] =	vst v63  }
0x52: {  	_ =	swait.ge [sflag:s31], $0x6000  }
0x53: {  	[sflag:s31] =	ssyncset.done $0x0  }
0x54: {  	[sflag:s31] =	ssyncadd.s32 $0xFFFFA000  }
0x55: {  	_ =	swait.ge [sflag:s12], $0x6000  }
0x56: {  	[sflag:s12] =	ssyncset.done $0x0  }
0x57: {  	s0 =	rddreg [dreg:$0x8];
	[sflag:s12] =	ssyncadd.s32 $0xFFFFA000  }
0x58: {  	[hbm4b:s0+s2] =	stream.linear.scatter [tilespmem:s9], [sflag:$0x6], $0x6000, $0x38;
	[tilespmem:$0x1E000] =	vst v63  }
0x59: {  	s1 =	rddreg [dreg:$0x9]  }
0x5a: {  	[tilespmem:s30], [sflag:$0x5] =	stream.linear.gather [hbm4b:s1+s2], $0x6000, $0x38;
	[tilespmem:$0x1E000] =	vst v63  }
0x5b: {  	_ =	swait.ge [sflag:s13], $0x6000  }
0x5c: {  	[sflag:s13] =	ssyncset.done $0x0  }
0x5d: {  	s1 =	rddreg [dreg:$0xa];
	[sflag:s13] =	ssyncadd.s32 $0xFFFFA000  }
0x5e: {  	[hbm4b:s1+s2] =	stream.linear.scatter [tilespmem:s5], [sflag:$0x7], $0x6000, $0x38;
	[tilespmem:$0x1E000] =	vst v63  }
0x5f: {  	_ =	swait.ge [sflag:s8], $0x6000  }
0x60: {  	[sflag:s8] =	ssyncset.done $0x0  }
0x61: {  	s1 =	rddreg [dreg:$0xb];
	[sflag:s8] =	ssyncadd.s32 $0xFFFFA000  }
0x62: {  	[tilespmem:s9], [sflag:$0x3] =	stream.linear.gather [hbm4b:s1+s2], $0x6000, $0x38;
	[tilespmem:$0x1E000] =	vst v63  }
0x63: {  	_ =	swait.ge [sflag:s20], $0x6000  }
0x64: {  	[sflag:s20] =	ssyncset.done $0x0  }
0x65: {  	s1 =	rddreg [dreg:$0xc];
	[sflag:s20] =	ssyncadd.s32 $0xFFFFA000  }
0x66: {  	[hbm4b:s1+s2] =	stream.linear.scatter [tilespmem:s30], [sflag:$0x8], $0x6000, $0x38;
	[tilespmem:$0x1E000] =	vst v63  }
0x67: {  	_ =	swait.ge [sflag:s6], $0x6000  }
0x68: {  	[sflag:s6] =	ssyncset.done $0x0  }
0x69: {  	s1 =	rddreg [dreg:$0xd];
	[sflag:s6] =	ssyncadd.s32 $0xFFFFA000  }
0x6a: {  	[tilespmem:s5], [sflag:$0x4] =	stream.linear.gather [hbm4b:s1+s2], $0x6000, $0x38;
	[tilespmem:$0x1E000] =	vst v63  }
0x6b: {  	_ =	swait.ge [sflag:s12], $0x6000  }
0x6c: {  	[sflag:s12] =	ssyncset.done $0x0  }
0x6d: {  	s1 =	rddreg [dreg:$0xe];
	[sflag:s12] =	ssyncadd.s32 $0xFFFFA000  }
0x6e: {  	[hbm4b:s1+s2] =	stream.linear.scatter [tilespmem:s9], [sflag:$0x6], $0x6000, $0x38;
	[tilespmem:$0x1E000] =	vst v63  }
0x6f: {  	_ =	swait.ge [sflag:s14], $0x6000  }
0x70: {  	[sflag:s14] =	ssyncset.done $0x0  }
0x71: {  	s0 =	rddreg [dreg:$0xf];
	[sflag:s14] =	ssyncadd.s32 $0xFFFFA000  }
0x72: {  	[tilespmem:s30], [sflag:$0x5] =	stream.linear.gather [hbm4b:s0+s2], $0x6000, $0x38;
	[tilespmem:$0x1E000] =	vst v63  }
0x73: {  	s1 =	rddreg [dreg:$0x10]  }
0x74: {  	[tilespmem:s2], [sflag:$0x1] =	stream.linear.gather [hbm4b:s1+s2], $0x6000, $0x38;
	[tilespmem:$0x1E000] =	vst v63  }
0x75: {  	_ =	swait.ge [sflag:s26], $0x6000  }
0x76: {  	[sflag:s26] =	ssyncset.done $0x0  }
0x77: {  	[sflag:s26] =	ssyncadd.s32 $0xFFFFA000  }
0x78: {  	_ =	swait.ge [sflag:s13], $0x6000  }
0x79: {  	[sflag:s13] =	ssyncset.done $0x0  }
0x7a: {  	s1 =	rddreg [dreg:$0x11];
	[sflag:s13] =	ssyncadd.s32 $0xFFFFA000  }
0x7b: {  	[hbm4b:s1+s2] =	stream.linear.scatter [tilespmem:s5], [sflag:$0x7], $0x6000, $0x38;
	[tilespmem:$0x1E000] =	vst v63  }
0x7c: {  	_ =	swait.ge [sflag:s8], $0x6000  }
0x7d: {  	[sflag:s8] =	ssyncset.done $0x0  }
0x7e: {  	s1 =	rddreg [dreg:$0x12];
	[sflag:s8] =	ssyncadd.s32 $0xFFFFA000  }
0x7f: {  	[tilespmem:s9], [sflag:$0x3] =	stream.linear.gather [hbm4b:s1+s2], $0x6000, $0x38;
	[tilespmem:$0x1E000] =	vst v63  }
0x80: {  	_ =	swait.ge [sflag:s20], $0x6000  }
0x81: {  	[sflag:s20] =	ssyncset.done $0x0  }
0x82: {  	s1 =	rddreg [dreg:$0x13];
	[sflag:s20] =	ssyncadd.s32 $0xFFFFA000  }
0x83: {  	[hbm4b:s1+s2] =	stream.linear.scatter [tilespmem:s30], [sflag:$0x8], $0x6000, $0x38;
	[tilespmem:$0x1E000] =	vst v63  }
0x84: {  	_ =	swait.ge [sflag:s6], $0x6000  }
0x85: {  	[sflag:s6] =	ssyncset.done $0x0  }
0x86: {  	s1 =	rddreg [dreg:$0x14];
	[sflag:s6] =	ssyncadd.s32 $0xFFFFA000  }
0x87: {  	[tilespmem:s5], [sflag:$0x4] =	stream.linear.gather [hbm4b:s1+s2], $0x6000, $0x38;
	[tilespmem:$0x1E000] =	vst v63  }
0x88: {  	_ =	swait.ge [sflag:s12], $0x6000  }
0x89: {  	[sflag:s12] =	ssyncset.done $0x0  }
0x8a: {  	s1 =	rddreg [dreg:$0x15];
	[sflag:s12] =	ssyncadd.s32 $0xFFFFA000  }
0x8b: {  	[hbm4b:s1+s2] =	stream.linear.scatter [tilespmem:s9], [sflag:$0x6], $0x6000, $0x38;
	[tilespmem:$0x1E000] =	vst v63  }
0x8c: {  	_ =	swait.ge [sflag:s14], $0x6000  }
0x8d: {  	[sflag:s14] =	ssyncset.done $0x0  }
0x8e: {  	s1 =	rddreg [dreg:$0x16];
	[sflag:s14] =	ssyncadd.s32 $0xFFFFA000  }
0x8f: {  	[tilespmem:s30], [sflag:$0x5] =	stream.linear.gather [hbm4b:s1+s2], $0x6000, $0x38;
	[tilespmem:$0x1E000] =	vst v63  }
0x90: {  	_ =	swait.ge [sflag:s13], $0x6000  }
0x91: {  	[sflag:s13] =	ssyncset.done $0x0  }
0x92: {  	s1 =	rddreg [dreg:$0x17];
	[sflag:s13] =	ssyncadd.s32 $0xFFFFA000  }
0x93: {  	[hbm4b:s1+s2] =	stream.linear.scatter [tilespmem:s5], [sflag:$0x7], $0x6000, $0x38;
	[tilespmem:$0x1E000] =	vst v63  }
0x94: {  	_ =	swait.ge [sflag:s8], $0x6000  }
0x95: {  	[sflag:s8] =	ssyncset.done $0x0  }
0x96: {  	s0 =	rddreg [dreg:$0x18];
	[sflag:s8] =	ssyncadd.s32 $0xFFFFA000  }
0x97: {  	[tilespmem:s9], [sflag:$0x3] =	stream.linear.gather [hbm4b:s0+s2], $0x6000, $0x38;
	[tilespmem:$0x1E000] =	vst v63  }
0x98: {  	s1 =	rddreg [dreg:$0x19]  }
0x99: {  	[tilespmem:s29], [sflag:$0x2] =	stream.linear.gather [hbm4b:s1+s2], $0x6000, $0x38;
	[tilespmem:$0x1E000] =	vst v63  }
0x9a: {  	_ =	swait.ge [sflag:s31], $0x6000  }
0x9b: {  	[sflag:s31] =	ssyncset.done $0x0  }
0x9c: {  	[sflag:s31] =	ssyncadd.s32 $0xFFFFA000  }
0x9d: {  	_ =	swait.ge [sflag:s20], $0x6000  }
0x9e: {  	[sflag:s20] =	ssyncset.done $0x0  }
0x9f: {  	s1 =	rddreg [dreg:$0x1a];
	[sflag:s20] =	ssyncadd.s32 $0xFFFFA000  }
0xa0: {  	[hbm4b:s1+s2] =	stream.linear.scatter [tilespmem:s30], [sflag:$0x8], $0x6000, $0x38;
	[tilespmem:$0x1E000] =	vst v63  }
0xa1: {  	_ =	swait.ge [sflag:s6], $0x6000  }
0xa2: {  	[sflag:s6] =	ssyncset.done $0x0  }
0xa3: {  	s1 =	rddreg [dreg:$0x1b];
	[sflag:s6] =	ssyncadd.s32 $0xFFFFA000  }
0xa4: {  	[tilespmem:s5], [sflag:$0x4] =	stream.linear.gather [hbm4b:s1+s2], $0x6000, $0x38;
	[tilespmem:$0x1E000] =	vst v63  }
0xa5: {  	_ =	swait.ge [sflag:s12], $0x6000  }
0xa6: {  	[sflag:s12] =	ssyncset.done $0x0  }
0xa7: {  	s1 =	rddreg [dreg:$0x1c];
	[sflag:s12] =	ssyncadd.s32 $0xFFFFA000  }
0xa8: {  	[hbm4b:s1+s2] =	stream.linear.scatter [tilespmem:s9], [sflag:$0x6], $0x6000, $0x38;
	[tilespmem:$0x1E000] =	vst v63  }
0xa9: {  	_ =	swait.ge [sflag:s14], $0x6000  }
0xaa: {  	[sflag:s14] =	ssyncset.done $0x0  }
0xab: {  	s1 =	rddreg [dreg:$0x1d];
	[sflag:s14] =	ssyncadd.s32 $0xFFFFA000  }
0xac: {  	[tilespmem:s30], [sflag:$0x5] =	stream.linear.gather [hbm4b:s1+s2], $0x6000, $0x38;
	[tilespmem:$0x1E000] =	vst v63  }
0xad: {  	_ =	swait.ge [sflag:s13], $0x6000  }
0xae: {  	[sflag:s13] =	ssyncset.done $0x0  }
0xaf: {  	s1 =	rddreg [dreg:$0x1e];
	[sflag:s13] =	ssyncadd.s32 $0xFFFFA000  }
0xb0: {  	[hbm4b:s1+s2] =	stream.linear.scatter [tilespmem:s5], [sflag:$0x7], $0x6000, $0x38;
	[tilespmem:$0x1E000] =	vst v63  }
0xb1: {  	_ =	swait.ge [sflag:s8], $0x6000  }
0xb2: {  	[sflag:s8] =	ssyncset.done $0x0  }
0xb3: {  	s1 =	rddreg [dreg:$0x1f];
	[sflag:s8] =	ssyncadd.s32 $0xFFFFA000  }
0xb4: {  	[tilespmem:s9], [sflag:$0x3] =	stream.linear.gather [hbm4b:s1+s2], $0x6000, $0x38;
	[tilespmem:$0x1E000] =	vst v63  }
0xb5: {  	_ =	swait.ge [sflag:s20], $0x6000  }
0xb6: {  	s1 =	sld [smem:$0x7E2]  }
0xb7: {  	[sflag:s20] =	ssyncset.done $0x0  }
0xb8: {  	[sflag:s20] =	ssyncadd.s32 $0xFFFFA000  }
0xb9: {  	[hbm4b:s1+s2] =	stream.linear.scatter [tilespmem:s30], [sflag:$0x8], $0x6000, $0x38;
	[tilespmem:$0x1E000] =	vst v63  }
0xba: {  	_ =	swait.ge [sflag:s6], $0x6000  }
0xbb: {  	s0 =	sld [smem:$0x7E3]  }
0xbc: {  	[sflag:s6] =	ssyncset.done $0x0  }
0xbd: {  	s1 =	sld [smem:$0x7E4];
	[sflag:s6] =	ssyncadd.s32 $0xFFFFA000  }
0xbe: {  	[tilespmem:s5], [sflag:$0x4] =	stream.linear.gather [hbm4b:s0+s2], $0x6000, $0x38;
	[tilespmem:$0x1E000] =	vst v63  }
0xbf: {  	_ = 	snop  }
0xc0: {  	[tilespmem:s2], [sflag:$0x1] =	stream.linear.gather [hbm4b:s1+s2], $0x6000, $0x38;
	[tilespmem:$0x1E000] =	vst v63  }
0xc1: {  	_ =	swait.ge [sflag:s26], $0x6000  }
0xc2: {  	[sflag:s26] =	ssyncset.done $0x0  }
0xc3: {  	[sflag:s26] =	ssyncadd.s32 $0xFFFFA000  }
0xc4: {  	_ =	swait.ge [sflag:s12], $0x6000  }
0xc5: {  	s1 =	sld [smem:$0x7E5]  }
0xc6: {  	[sflag:s12] =	ssyncset.done $0x0  }
0xc7: {  	[sflag:s12] =	ssyncadd.s32 $0xFFFFA000  }
0xc8: {  	[hbm4b:s1+s2] =	stream.linear.scatter [tilespmem:s9], [sflag:$0x6], $0x6000, $0x38;
	[tilespmem:$0x1E000] =	vst v63  }
0xc9: {  	_ =	swait.ge [sflag:s14], $0x6000  }
0xca: {  	s1 =	sld [smem:$0x7E6]  }
0xcb: {  	[sflag:s14] =	ssyncset.done $0x0  }
0xcc: {  	[sflag:s14] =	ssyncadd.s32 $0xFFFFA000  }
0xcd: {  	[tilespmem:s30], [sflag:$0x5] =	stream.linear.gather [hbm4b:s1+s2], $0x6000, $0x38;
	[tilespmem:$0x1E000] =	vst v63  }
0xce: {  	_ =	swait.ge [sflag:s13], $0x6000  }
0xcf: {  	s1 =	sld [smem:$0x7E7]  }
0xd0: {  	[sflag:s13] =	ssyncset.done $0x0  }
0xd1: {  	[sflag:s13] =	ssyncadd.s32 $0xFFFFA000  }
0xd2: {  	[hbm4b:s1+s2] =	stream.linear.scatter [tilespmem:s5], [sflag:$0x7], $0x6000, $0x38;
	[tilespmem:$0x1E000] =	vst v63  }
0xd3: {  	_ =	swait.ge [sflag:s8], $0x6000  }
0xd4: {  	s1 =	sld [smem:$0x7E8]  }
0xd5: {  	[sflag:s8] =	ssyncset.done $0x0  }
0xd6: {  	[sflag:s8] =	ssyncadd.s32 $0xFFFFA000  }
0xd7: {  	[tilespmem:s9], [sflag:$0x3] =	stream.linear.gather [hbm4b:s1+s2], $0x6000, $0x38;
	[tilespmem:$0x1E000] =	vst v63  }
0xd8: {  	_ =	swait.ge [sflag:s20], $0x6000  }
0xd9: {  	s1 =	sld [smem:$0x7E9]  }
0xda: {  	[sflag:s20] =	ssyncset.done $0x0  }
0xdb: {  	[sflag:s20] =	ssyncadd.s32 $0xFFFFA000  }
0xdc: {  	[hbm4b:s1+s2] =	stream.linear.scatter [tilespmem:s30], [sflag:$0x8], $0x6000, $0x38;
	[tilespmem:$0x1E000] =	vst v63  }
0xdd: {  	_ =	swait.ge [sflag:s6], $0x6000  }
0xde: {  	s1 =	sld [smem:$0x7EA]  }
0xdf: {  	[sflag:s6] =	ssyncset.done $0x0  }
0xe0: {  	[sflag:s6] =	ssyncadd.s32 $0xFFFFA000  }
0xe1: {  	[tilespmem:s5], [sflag:$0x4] =	stream.linear.gather [hbm4b:s1+s2], $0x6000, $0x38;
	[tilespmem:$0x1E000] =	vst v63  }
0xe2: {  	_ =	swait.ge [sflag:s12], $0x6000  }
0xe3: {  	s1 =	sld [smem:$0x7EB]  }
0xe4: {  	[sflag:s12] =	ssyncset.done $0x0  }
0xe5: {  	[sflag:s12] =	ssyncadd.s32 $0xFFFFA000  }
0xe6: {  	[hbm4b:s1+s2] =	stream.linear.scatter [tilespmem:s9], [sflag:$0x6], $0x6000, $0x38;
	[tilespmem:$0x1E000] =	vst v63  }
0xe7: {  	_ =	swait.ge [sflag:s14], $0x6000  }
0xe8: {  	s0 =	sld [smem:$0x7EC]  }
0xe9: {  	[sflag:s14] =	ssyncset.done $0x0  }
0xea: {  	s1 =	sld [smem:$0x7ED];
	[sflag:s14] =	ssyncadd.s32 $0xFFFFA000  }
0xeb: {  	[tilespmem:s30], [sflag:$0x5] =	stream.linear.gather [hbm4b:s0+s2], $0x6000, $0x38;
	[tilespmem:$0x1E000] =	vst v63  }
0xec: {  	_ = 	snop  }
0xed: {  	[tilespmem:s29], [sflag:$0x2] =	stream.linear.gather [hbm4b:s1+s2], $0x6000, $0x38;
	[tilespmem:$0x1E000] =	vst v63  }
0xee: {  	_ =	swait.ge [sflag:s31], $0x6000  }
0xef: {  	[sflag:s31] =	ssyncset.done $0x0  }
0xf0: {  	[sflag:s31] =	ssyncadd.s32 $0xFFFFA000  }
0xf1: {  	_ =	swait.ge [sflag:s13], $0x6000  }
0xf2: {  	s1 =	sld [smem:$0x7EE]  }
0xf3: {  	[sflag:s13] =	ssyncset.done $0x0  }
0xf4: {  	[sflag:s13] =	ssyncadd.s32 $0xFFFFA000  }
0xf5: {  	[hbm4b:s1+s2] =	stream.linear.scatter [tilespmem:s5], [sflag:$0x7], $0x6000, $0x38;
	[tilespmem:$0x1E000] =	vst v63  }
0xf6: {  	_ =	swait.ge [sflag:s8], $0x6000  }
0xf7: {  	s1 =	sld [smem:$0x7EF]  }
0xf8: {  	[sflag:s8] =	ssyncset.done $0x0  }
0xf9: {  	[sflag:s8] =	ssyncadd.s32 $0xFFFFA000  }
0xfa: {  	[tilespmem:s9], [sflag:$0x3] =	stream.linear.gather [hbm4b:s1+s2], $0x6000, $0x38;
	[tilespmem:$0x1E000] =	vst v63  }
0xfb: {  	_ =	swait.ge [sflag:s20], $0x6000  }
0xfc: {  	s1 =	sld [smem:$0x7F0]  }
0xfd: {  	[sflag:s20] =	ssyncset.done $0x0  }
0xfe: {  	[sflag:s20] =	ssyncadd.s32 $0xFFFFA000  }
0xff: {  	[hbm4b:s1+s2] =	stream.linear.scatter [tilespmem:s30], [sflag:$0x8], $0x6000, $0x38;
	[tilespmem:$0x1E000] =	vst v63  }
0x100: {  	_ =	swait.ge [sflag:s6], $0x6000  }
0x101: {  	s1 =	sld [smem:$0x7F1]  }
0x102: {  	[sflag:s6] =	ssyncset.done $0x0  }
0x103: {  	[sflag:s6] =	ssyncadd.s32 $0xFFFFA000  }
0x104: {  	[tilespmem:s5], [sflag:$0x4] =	stream.linear.gather [hbm4b:s1+s2], $0x6000, $0x38;
	[tilespmem:$0x1E000] =	vst v63  }
0x105: {  	_ =	swait.ge [sflag:s12], $0x6000  }
0x106: {  	s1 =	sld [smem:$0x7F2]  }
0x107: {  	[sflag:s12] =	ssyncset.done $0x0  }
0x108: {  	[sflag:s12] =	ssyncadd.s32 $0xFFFFA000  }
0x109: {  	[hbm4b:s1+s2] =	stream.linear.scatter [tilespmem:s9], [sflag:$0x6], $0x6000, $0x38;
	[tilespmem:$0x1E000] =	vst v63  }
0x10a: {  	_ =	swait.ge [sflag:s14], $0x6000  }
0x10b: {  	s1 =	sld [smem:$0x7F3]  }
0x10c: {  	[sflag:s14] =	ssyncset.done $0x0  }
0x10d: {  	[sflag:s14] =	ssyncadd.s32 $0xFFFFA000  }
0x10e: {  	[tilespmem:s30], [sflag:$0x5] =	stream.linear.gather [hbm4b:s1+s2], $0x6000, $0x38;
	[tilespmem:$0x1E000] =	vst v63  }
0x10f: {  	_ =	swait.ge [sflag:s13], $0x6000  }
0x110: {  	s1 =	sld [smem:$0x7F4]  }
0x111: {  	[sflag:s13] =	ssyncset.done $0x0  }
0x112: {  	[sflag:s13] =	ssyncadd.s32 $0xFFFFA000  }
0x113: {  	[hbm4b:s1+s2] =	stream.linear.scatter [tilespmem:s5], [sflag:$0x7], $0x6000, $0x38;
	[tilespmem:$0x1E000] =	vst v63  }
0x114: {  	_ =	swait.ge [sflag:s8], $0x6000  }
0x115: {  	s0 =	sld [smem:$0x7F5]  }
0x116: {  	[sflag:s8] =	ssyncset.done $0x0  }
0x117: {  	s1 =	sld [smem:$0x7F6];
	[sflag:s8] =	ssyncadd.s32 $0xFFFFA000  }
0x118: {  	[tilespmem:s9], [sflag:$0x3] =	stream.linear.gather [hbm4b:s0+s2], $0x6000, $0x38;
	[tilespmem:$0x1E000] =	vst v63  }
0x119: {  	_ = 	snop  }
0x11a: {  	[tilespmem:s2], [sflag:$0x1] =	stream.linear.gather [hbm4b:s1+s2], $0x6000, $0x38;
	[tilespmem:$0x1E000] =	vst v63  }
0x11b: {  	_ =	swait.ge [sflag:s26], $0x6000  }
0x11c: {  	[sflag:s26] =	ssyncset.done $0x0  }
0x11d: {  	[sflag:s26] =	ssyncadd.s32 $0xFFFFA000  }
0x11e: {  	_ =	swait.ge [sflag:s20], $0x6000  }
0x11f: {  	s1 =	sld [smem:$0x7F7]  }
0x120: {  	[sflag:s20] =	ssyncset.done $0x0  }
0x121: {  	[sflag:s20] =	ssyncadd.s32 $0xFFFFA000  }
0x122: {  	[hbm4b:s1+s2] =	stream.linear.scatter [tilespmem:s30], [sflag:$0x8], $0x6000, $0x38;
	[tilespmem:$0x1E000] =	vst v63  }
0x123: {  	_ =	swait.ge [sflag:s6], $0x6000  }
0x124: {  	s1 =	sld [smem:$0x7F8]  }
0x125: {  	[sflag:s6] =	ssyncset.done $0x0  }
0x126: {  	[sflag:s6] =	ssyncadd.s32 $0xFFFFA000  }
0x127: {  	[tilespmem:s5], [sflag:$0x4] =	stream.linear.gather [hbm4b:s1+s2], $0x6000, $0x38;
	[tilespmem:$0x1E000] =	vst v63  }
0x128: {  	_ =	swait.ge [sflag:s12], $0x6000  }
0x129: {  	s1 =	sld [smem:$0x7F9]  }
0x12a: {  	[sflag:s12] =	ssyncset.done $0x0  }
0x12b: {  	[sflag:s12] =	ssyncadd.s32 $0xFFFFA000  }
0x12c: {  	[hbm4b:s1+s2] =	stream.linear.scatter [tilespmem:s9], [sflag:$0x6], $0x6000, $0x38;
	[tilespmem:$0x1E000] =	vst v63  }
0x12d: {  	_ =	swait.ge [sflag:s14], $0x6000  }
0x12e: {  	s1 =	sld [smem:$0x7FA]  }
0x12f: {  	[sflag:s14] =	ssyncset.done $0x0  }
0x130: {  	[sflag:s14] =	ssyncadd.s32 $0xFFFFA000  }
0x131: {  	[tilespmem:s30], [sflag:$0x5] =	stream.linear.gather [hbm4b:s1+s2], $0x6000, $0x38;
	[tilespmem:$0x1E000] =	vst v63  }
0x132: {  	_ =	swait.ge [sflag:s13], $0x6000  }
0x133: {  	s1 =	sld [smem:$0x7FB]  }
0x134: {  	[sflag:s13] =	ssyncset.done $0x0  }
0x135: {  	[sflag:s13] =	ssyncadd.s32 $0xFFFFA000  }
0x136: {  	[hbm4b:s1+s2] =	stream.linear.scatter [tilespmem:s5], [sflag:$0x7], $0x6000, $0x38;
	[tilespmem:$0x1E000] =	vst v63  }
0x137: {  	_ =	swait.ge [sflag:s8], $0x6000  }
0x138: {  	s1 =	sld [smem:$0x7FC]  }
0x139: {  	[sflag:s8] =	ssyncset.done $0x0  }
0x13a: {  	[sflag:s8] =	ssyncadd.s32 $0xFFFFA000  }
0x13b: {  	[tilespmem:s9], [sflag:$0x3] =	stream.linear.gather [hbm4b:s1+s2], $0x6000, $0x38;
	[tilespmem:$0x1E000] =	vst v63  }
0x13c: {  	_ =	swait.ge [sflag:s20], $0x6000  }
0x13d: {  	s1 =	sld [smem:$0x7FD]  }
0x13e: {  	[sflag:s20] =	ssyncset.done $0x0  }
0x13f: {  	[sflag:s20] =	ssyncadd.s32 $0xFFFFA000  }
0x140: {  	[hbm4b:s1+s2] =	stream.linear.scatter [tilespmem:s30], [sflag:$0x8], $0x6000, $0x38;
	[tilespmem:$0x1E000] =	vst v63  }
0x141: {  	_ =	swait.ge [sflag:s6], $0x6000  }
0x142: {  	[sflag:s6] =	ssyncset.done $0x0  }
0x143: {  	[sflag:s6] =	ssyncadd.s32 $0xFFFFA000  }
0x144: {  	[tilespmem:s5], [sflag:$0x4] =	stream.linear.gather [hbm4b:s28+s2], $0x6000, $0x38;
	[tilespmem:$0x1E000] =	vst v63  }
0x145: {  	_ = 	snop  }
0x146: {  	[tilespmem:s29], [sflag:$0x2] =	stream.linear.gather [hbm4b:s17+s2], $0x6000, $0x38;
	[tilespmem:$0x1E000] =	vst v63  }
0x147: {  	_ =	swait.ge [sflag:s31], $0x6000  }
0x148: {  	[sflag:s31] =	ssyncset.done $0x0  }
0x149: {  	[sflag:s31] =	ssyncadd.s32 $0xFFFFA000  }
0x14a: {  	_ =	swait.ge [sflag:s12], $0x6000  }
0x14b: {  	[sflag:s12] =	ssyncset.done $0x0  }
0x14c: {  	[sflag:s12] =	ssyncadd.s32 $0xFFFFA000  }
0x14d: {  	[hbm4b:s25+s2] =	stream.linear.scatter [tilespmem:s9], [sflag:$0x6], $0x6000, $0x38;
	[tilespmem:$0x1E000] =	vst v63  }
0x14e: {  	_ =	swait.ge [sflag:s14], $0x6000  }
0x14f: {  	[sflag:s14] =	ssyncset.done $0x0  }
0x150: {  	[sflag:s14] =	ssyncadd.s32 $0xFFFFA000  }
0x151: {  	[tilespmem:s30], [sflag:$0x5] =	stream.linear.gather [hbm4b:s24+s2], $0x6000, $0x38;
	[tilespmem:$0x1E000] =	vst v63  }
0x152: {  	_ =	swait.ge [sflag:s13], $0x6000  }
0x153: {  	[sflag:s13] =	ssyncset.done $0x0  }
0x154: {  	[sflag:s13] =	ssyncadd.s32 $0xFFFFA000  }
0x155: {  	[hbm4b:s23+s2] =	stream.linear.scatter [tilespmem:s5], [sflag:$0x7], $0x6000, $0x38;
	[tilespmem:$0x1E000] =	vst v63  }
0x156: {  	_ =	swait.ge [sflag:s8], $0x6000  }
0x157: {  	[sflag:s8] =	ssyncset.done $0x0  }
0x158: {  	[sflag:s8] =	ssyncadd.s32 $0xFFFFA000  }
0x159: {  	[tilespmem:s9], [sflag:$0x3] =	stream.linear.gather [hbm4b:s22+s2], $0x6000, $0x38;
	[tilespmem:$0x1E000] =	vst v63  }
0x15a: {  	_ =	swait.ge [sflag:s20], $0x6000  }
0x15b: {  	[sflag:s20] =	ssyncset.done $0x0  }
0x15c: {  	[sflag:s20] =	ssyncadd.s32 $0xFFFFA000  }
0x15d: {  	[hbm4b:s21+s2] =	stream.linear.scatter [tilespmem:s30], [sflag:$0x8], $0x6000, $0x38;
	[tilespmem:$0x1E000] =	vst v63  }
0x15e: {  	_ =	swait.ge [sflag:s6], $0x6000  }
0x15f: {  	[sflag:s6] =	ssyncset.done $0x0  }
0x160: {  	[sflag:s6] =	ssyncadd.s32 $0xFFFFA000  }
0x161: {  	[tilespmem:s5], [sflag:$0x4] =	stream.linear.gather [hbm4b:s19+s2], $0x6000, $0x38;
	[tilespmem:$0x1E000] =	vst v63  }
0x162: {  	_ =	swait.ge [sflag:s12], $0x6000  }
0x163: {  	[sflag:s12] =	ssyncset.done $0x0  }
0x164: {  	[sflag:s12] =	ssyncadd.s32 $0xFFFFA000  }
0x165: {  	[hbm4b:s18+s2] =	stream.linear.scatter [tilespmem:s9], [sflag:$0x6], $0x6000, $0x38;
	[tilespmem:$0x1E000] =	vst v63  }
0x166: {  	_ =	swait.ge [sflag:s14], $0x6000  }
0x167: {  	[sflag:s14] =	ssyncset.done $0x0  }
0x168: {  	[sflag:s14] =	ssyncadd.s32 $0xFFFFA000  }
0x169: {  	[tilespmem:s30], [sflag:$0x5] =	stream.linear.gather [hbm4b:s16+s2], $0x6000, $0x38;
	[tilespmem:$0x1E000] =	vst v63  }
0x16a: {  	_ =	swait.ge [sflag:s26], $0x6000  }
0x16b: {  	[sflag:s26] =	ssyncset.done $0x0  }
0x16c: {  	[sflag:s26] =	ssyncadd.s32 $0xFFFFA000  }
0x16d: {  	_ =	swait.ge [sflag:s13], $0x6000  }
0x16e: {  	[sflag:s13] =	ssyncset.done $0x0  }
0x16f: {  	[sflag:s13] =	ssyncadd.s32 $0xFFFFA000  }
0x170: {  	[hbm4b:s15+s2] =	stream.linear.scatter [tilespmem:s5], [sflag:$0x7], $0x6000, $0x38;
	[tilespmem:$0x1E000] =	vst v63  }
0x171: {  	_ =	swait.ge [sflag:s8], $0x6000  }
0x172: {  	[sflag:s8] =	ssyncset.done $0x0  }
0x173: {  	[sflag:s8] =	ssyncadd.s32 $0xFFFFA000  }
0x174: {  	[tilespmem:s9], [sflag:$0x3] =	stream.linear.gather [hbm4b:s11+s2], $0x6000, $0x38;
	[tilespmem:$0x1E000] =	vst v63  }
0x175: {  	_ =	swait.ge [sflag:s20], $0x6000  }
0x176: {  	[sflag:s20] =	ssyncset.done $0x0  }
0x177: {  	[sflag:s20] =	ssyncadd.s32 $0xFFFFA000  }
0x178: {  	[hbm4b:s10+s2] =	stream.linear.scatter [tilespmem:s30], [sflag:$0x8], $0x6000, $0x38;
	[tilespmem:$0x1E000] =	vst v63  }
0x179: {  	_ =	swait.ge [sflag:s6], $0x6000  }
0x17a: {  	[sflag:s6] =	ssyncset.done $0x0  }
0x17b: {  	[sflag:s6] =	ssyncadd.s32 $0xFFFFA000  }
0x17c: {  	[tilespmem:s5], [sflag:$0x4] =	stream.linear.gather [hbm4b:s7+s2], $0x6000, $0x38;
	[tilespmem:$0x1E000] =	vst v63  }
0x17d: {  	_ =	swait.ge [sflag:s12], $0x6000  }
0x17e: {  	[sflag:s12] =	ssyncset.done $0x0  }
0x17f: {  	[sflag:s12] =	ssyncadd.s32 $0xFFFFA000  }
0x180: {  	[hbm4b:s4+s2] =	stream.linear.scatter [tilespmem:s9], [sflag:$0x6], $0x6000, $0x38;
	[tilespmem:$0x1E000] =	vst v63  }
0x181: {  	_ =	swait.ge [sflag:s13], $0x6000  }
0x182: {  	[sflag:s13] =	ssyncset.done $0x0  }
0x183: {  	[sflag:s13] =	ssyncadd.s32 $0xFFFFA000  }
0x184: {  	[hbm4b:s3+s2] =	stream.linear.scatter [tilespmem:s5], [sflag:$0x7], $0x6000, $0x38;
	[tilespmem:$0x1E000] =	vst v63  }
0x185: {  	_ =	swait.ge [sflag:s14], $0x6000  }
0x186: {  	[sflag:s14] =	ssyncset.done $0x0  }
0x187: {  	[sflag:s14] =	ssyncadd.s32 $0xFFFFA000  }
0x188: {  	_ =	swait.ge [sflag:s8], $0x6000  }
0x189: {  	s1 =	sld [smem:$0x7E0];
	_ =	sdelay $0x2  }
0x18a: {  	p1 =	sne.s32 s1, $0x1  }
.Ltmp1:
0x18b: {  	[sflag:s8] =	ssyncset.done $0x0;
	(pc) =	sbr.rel @!p1 .LBB2_3-.Ltmp1, $4  }
0x18c: {  	[sflag:s8] =	ssyncadd.s32 $0xFFFFA000  }
0x18d: {  	_ =	swait.ge [sflag:s6], $0x6000  }
0x18e: {  	p0 =	por $0x1, $0x1;
	s0 =	rddreg [dreg:$0x4]  }
0x18f: {  	s1 =	sadd.s32 $0xFFFFFFFF, s1;
	[sflag:s6] =	ssyncset.done $0x0;
	[smem:$0x7E1] =	sst s17  }
.LBB2_2:
0x190: {  	[sflag:s6] =	ssyncadd.s32 $0xFFFFA000;
	s26 =	simm.s32 $0x6000;
	s29 =	smov.u32 s28  }
0x191: {  	s28 =	smov.u32 s25;
	s25 =	smov.u32 s24;
	s24 =	smov.u32 s23  }
0x192: {  	s23 =	smov.u32 s22;
	s22 =	smov.u32 s21;
	s21 =	smov.u32 s19  }
0x193: {  	s19 =	smov.u32 s18;
	s18 =	smov.u32 s16;
	s16 =	smov.u32 s15  }
0x194: {  	s15 =	smov.u32 s11;
	s11 =	smov.u32 s10;
	s10 =	smov.u32 s7  }
0x195: {  	[tilespmem:s2], [sflag:$0x1] =	stream.linear.gather [hbm4b:s0+s2], $0x6000, $0x38;
	[tilespmem:$0x1E000] =	vst v63  }
0x196: {  	s7 =	smov.u32 s4;
	s4 =	smov.u32 s3;
	s3 =	rddreg [dreg:$0x5]  }
0x197: {  	[tilespmem:s26], [sflag:$0x2] =	stream.linear.gather [hbm4b:s3+s2], $0x6000, $0x38;
	[tilespmem:$0x1E000] =	vst v63  }
0x198: {  	s0 =	rddreg [dreg:$0x6]  }
0x199: {  	[tilespmem:s9], [sflag:$0x3] =	stream.linear.gather [hbm4b:s0+s2], $0x6000, $0x38;
	[tilespmem:$0x1E000] =	vst v63  }
0x19a: {  	s17 =	simm.s32 $0x1;
	s3 =	rddreg [dreg:$0x7]  }
0x19b: {  	[tilespmem:s5], [sflag:$0x4] =	stream.linear.gather [hbm4b:s3+s2], $0x6000, $0x38;
	[tilespmem:$0x1E000] =	vst v63  }
0x19c: {  	_ =	swait.ge [sflag:s17], $0x6000  }
0x19d: {  	[sflag:s17] =	ssyncset.done $0x0  }
0x19e: {  	[sflag:s17] =	ssyncadd.s32 $0xFFFFA000  }
0x19f: {  	_ =	swait.ge [sflag:s12], $0x6000  }
0x1a0: {  	[sflag:s12] =	ssyncset.done $0x0  }
0x1a1: {  	s0 =	rddreg [dreg:$0x8];
	[sflag:s12] =	ssyncadd.s32 $0xFFFFA000  }
0x1a2: {  	[hbm4b:s0+s2] =	stream.linear.scatter [tilespmem:s9], [sflag:$0x6], $0x6000, $0x38;
	[tilespmem:$0x1E000] =	vst v63  }
0x1a3: {  	s3 =	rddreg [dreg:$0x9]  }
0x1a4: {  	[tilespmem:s30], [sflag:$0x5] =	stream.linear.gather [hbm4b:s3+s2], $0x6000, $0x38;
	[tilespmem:$0x1E000] =	vst v63  }
0x1a5: {  	_ =	swait.ge [sflag:s13], $0x6000  }
0x1a6: {  	[sflag:s13] =	ssyncset.done $0x0  }
0x1a7: {  	s3 =	rddreg [dreg:$0xa];
	[sflag:s13] =	ssyncadd.s32 $0xFFFFA000  }
0x1a8: {  	[hbm4b:s3+s2] =	stream.linear.scatter [tilespmem:s5], [sflag:$0x7], $0x6000, $0x38;
	[tilespmem:$0x1E000] =	vst v63  }
0x1a9: {  	_ =	swait.ge [sflag:s8], $0x6000  }
0x1aa: {  	[sflag:s8] =	ssyncset.done $0x0  }
0x1ab: {  	s3 =	rddreg [dreg:$0xb];
	[sflag:s8] =	ssyncadd.s32 $0xFFFFA000  }
0x1ac: {  	[tilespmem:s9], [sflag:$0x3] =	stream.linear.gather [hbm4b:s3+s2], $0x6000, $0x38;
	[tilespmem:$0x1E000] =	vst v63  }
0x1ad: {  	_ =	swait.ge [sflag:s20], $0x6000  }
0x1ae: {  	[sflag:s20] =	ssyncset.done $0x0  }
0x1af: {  	s3 =	rddreg [dreg:$0xc];
	[sflag:s20] =	ssyncadd.s32 $0xFFFFA000  }
0x1b0: {  	[hbm4b:s3+s2] =	stream.linear.scatter [tilespmem:s30], [sflag:$0x8], $0x6000, $0x38;
	[tilespmem:$0x1E000] =	vst v63  }
0x1b1: {  	_ =	swait.ge [sflag:s6], $0x6000  }
0x1b2: {  	[sflag:s6] =	ssyncset.done $0x0  }
0x1b3: {  	s3 =	rddreg [dreg:$0xd];
	[sflag:s6] =	ssyncadd.s32 $0xFFFFA000  }
0x1b4: {  	[tilespmem:s5], [sflag:$0x4] =	stream.linear.gather [hbm4b:s3+s2], $0x6000, $0x38;
	[tilespmem:$0x1E000] =	vst v63  }
0x1b5: {  	_ =	swait.ge [sflag:s12], $0x6000  }
0x1b6: {  	[sflag:s12] =	ssyncset.done $0x0  }
0x1b7: {  	s3 =	rddreg [dreg:$0xe];
	[sflag:s12] =	ssyncadd.s32 $0xFFFFA000  }
0x1b8: {  	[hbm4b:s3+s2] =	stream.linear.scatter [tilespmem:s9], [sflag:$0x6], $0x6000, $0x38;
	[tilespmem:$0x1E000] =	vst v63  }
0x1b9: {  	_ =	swait.ge [sflag:s14], $0x6000  }
0x1ba: {  	[sflag:s14] =	ssyncset.done $0x0  }
0x1bb: {  	s0 =	rddreg [dreg:$0xf];
	[sflag:s14] =	ssyncadd.s32 $0xFFFFA000  }
0x1bc: {  	[tilespmem:s30], [sflag:$0x5] =	stream.linear.gather [hbm4b:s0+s2], $0x6000, $0x38;
	[tilespmem:$0x1E000] =	vst v63  }
0x1bd: {  	s31 =	simm.s32 $0x2;
	s3 =	rddreg [dreg:$0x10]  }
0x1be: {  	[tilespmem:s2], [sflag:$0x1] =	stream.linear.gather [hbm4b:s3+s2], $0x6000, $0x38;
	[tilespmem:$0x1E000] =	vst v63  }
0x1bf: {  	_ =	swait.ge [sflag:s31], $0x6000  }
0x1c0: {  	[sflag:s31] =	ssyncset.done $0x0  }
0x1c1: {  	[sflag:s31] =	ssyncadd.s32 $0xFFFFA000  }
0x1c2: {  	_ =	swait.ge [sflag:s13], $0x6000  }
0x1c3: {  	[sflag:s13] =	ssyncset.done $0x0  }
0x1c4: {  	s3 =	rddreg [dreg:$0x11];
	[sflag:s13] =	ssyncadd.s32 $0xFFFFA000  }
0x1c5: {  	[hbm4b:s3+s2] =	stream.linear.scatter [tilespmem:s5], [sflag:$0x7], $0x6000, $0x38;
	[tilespmem:$0x1E000] =	vst v63  }
0x1c6: {  	_ =	swait.ge [sflag:s8], $0x6000  }
0x1c7: {  	[sflag:s8] =	ssyncset.done $0x0  }
0x1c8: {  	s3 =	rddreg [dreg:$0x12];
	[sflag:s8] =	ssyncadd.s32 $0xFFFFA000  }
0x1c9: {  	[tilespmem:s9], [sflag:$0x3] =	stream.linear.gather [hbm4b:s3+s2], $0x6000, $0x38;
	[tilespmem:$0x1E000] =	vst v63  }
0x1ca: {  	_ =	swait.ge [sflag:s20], $0x6000  }
0x1cb: {  	[sflag:s20] =	ssyncset.done $0x0  }
0x1cc: {  	s3 =	rddreg [dreg:$0x13];
	[sflag:s20] =	ssyncadd.s32 $0xFFFFA000  }
0x1cd: {  	[hbm4b:s3+s2] =	stream.linear.scatter [tilespmem:s30], [sflag:$0x8], $0x6000, $0x38;
	[tilespmem:$0x1E000] =	vst v63  }
0x1ce: {  	_ =	swait.ge [sflag:s6], $0x6000  }
0x1cf: {  	[sflag:s6] =	ssyncset.done $0x0  }
0x1d0: {  	s3 =	rddreg [dreg:$0x14];
	[sflag:s6] =	ssyncadd.s32 $0xFFFFA000  }
0x1d1: {  	[tilespmem:s5], [sflag:$0x4] =	stream.linear.gather [hbm4b:s3+s2], $0x6000, $0x38;
	[tilespmem:$0x1E000] =	vst v63  }
0x1d2: {  	_ =	swait.ge [sflag:s12], $0x6000  }
0x1d3: {  	[sflag:s12] =	ssyncset.done $0x0  }
0x1d4: {  	s3 =	rddreg [dreg:$0x15];
	[sflag:s12] =	ssyncadd.s32 $0xFFFFA000  }
0x1d5: {  	[hbm4b:s3+s2] =	stream.linear.scatter [tilespmem:s9], [sflag:$0x6], $0x6000, $0x38;
	[tilespmem:$0x1E000] =	vst v63  }
0x1d6: {  	_ =	swait.ge [sflag:s14], $0x6000  }
0x1d7: {  	[sflag:s14] =	ssyncset.done $0x0  }
0x1d8: {  	s3 =	rddreg [dreg:$0x16];
	[sflag:s14] =	ssyncadd.s32 $0xFFFFA000  }
0x1d9: {  	[tilespmem:s30], [sflag:$0x5] =	stream.linear.gather [hbm4b:s3+s2], $0x6000, $0x38;
	[tilespmem:$0x1E000] =	vst v63  }
0x1da: {  	_ =	swait.ge [sflag:s13], $0x6000  }
0x1db: {  	[sflag:s13] =	ssyncset.done $0x0  }
0x1dc: {  	s3 =	rddreg [dreg:$0x17];
	[sflag:s13] =	ssyncadd.s32 $0xFFFFA000  }
0x1dd: {  	[hbm4b:s3+s2] =	stream.linear.scatter [tilespmem:s5], [sflag:$0x7], $0x6000, $0x38;
	[tilespmem:$0x1E000] =	vst v63  }
0x1de: {  	_ =	swait.ge [sflag:s8], $0x6000  }
0x1df: {  	[sflag:s8] =	ssyncset.done $0x0  }
0x1e0: {  	s0 =	rddreg [dreg:$0x18];
	[sflag:s8] =	ssyncadd.s32 $0xFFFFA000  }
0x1e1: {  	[tilespmem:s9], [sflag:$0x3] =	stream.linear.gather [hbm4b:s0+s2], $0x6000, $0x38;
	[tilespmem:$0x1E000] =	vst v63  }
0x1e2: {  	s3 =	rddreg [dreg:$0x19]  }
0x1e3: {  	[tilespmem:s26], [sflag:$0x2] =	stream.linear.gather [hbm4b:s3+s2], $0x6000, $0x38;
	[tilespmem:$0x1E000] =	vst v63  }
0x1e4: {  	_ =	swait.ge [sflag:s17], $0x6000  }
0x1e5: {  	[sflag:s17] =	ssyncset.done $0x0  }
0x1e6: {  	[sflag:s17] =	ssyncadd.s32 $0xFFFFA000  }
0x1e7: {  	_ =	swait.ge [sflag:s20], $0x6000  }
0x1e8: {  	[sflag:s20] =	ssyncset.done $0x0  }
0x1e9: {  	s17 =	rddreg [dreg:$0x1a];
	[sflag:s20] =	ssyncadd.s32 $0xFFFFA000  }
0x1ea: {  	[hbm4b:s17+s2] =	stream.linear.scatter [tilespmem:s30], [sflag:$0x8], $0x6000, $0x38;
	[tilespmem:$0x1E000] =	vst v63  }
0x1eb: {  	_ =	swait.ge [sflag:s6], $0x6000  }
0x1ec: {  	[sflag:s6] =	ssyncset.done $0x0  }
0x1ed: {  	s3 =	rddreg [dreg:$0x1b];
	[sflag:s6] =	ssyncadd.s32 $0xFFFFA000  }
0x1ee: {  	[tilespmem:s5], [sflag:$0x4] =	stream.linear.gather [hbm4b:s3+s2], $0x6000, $0x38;
	[tilespmem:$0x1E000] =	vst v63  }
0x1ef: {  	_ =	swait.ge [sflag:s12], $0x6000  }
0x1f0: {  	[sflag:s12] =	ssyncset.done $0x0  }
0x1f1: {  	s17 =	rddreg [dreg:$0x1c];
	[sflag:s12] =	ssyncadd.s32 $0xFFFFA000  }
0x1f2: {  	[hbm4b:s17+s2] =	stream.linear.scatter [tilespmem:s9], [sflag:$0x6], $0x6000, $0x38;
	[tilespmem:$0x1E000] =	vst v63  }
0x1f3: {  	_ =	swait.ge [sflag:s14], $0x6000  }
0x1f4: {  	[sflag:s14] =	ssyncset.done $0x0  }
0x1f5: {  	s3 =	rddreg [dreg:$0x1d];
	[sflag:s14] =	ssyncadd.s32 $0xFFFFA000  }
0x1f6: {  	[tilespmem:s30], [sflag:$0x5] =	stream.linear.gather [hbm4b:s3+s2], $0x6000, $0x38;
	[tilespmem:$0x1E000] =	vst v63  }
0x1f7: {  	_ =	swait.ge [sflag:s13], $0x6000  }
0x1f8: {  	[sflag:s13] =	ssyncset.done $0x0  }
0x1f9: {  	s17 =	rddreg [dreg:$0x1e];
	[sflag:s13] =	ssyncadd.s32 $0xFFFFA000  }
0x1fa: {  	[hbm4b:s17+s2] =	stream.linear.scatter [tilespmem:s5], [sflag:$0x7], $0x6000, $0x38;
	[tilespmem:$0x1E000] =	vst v63  }
0x1fb: {  	_ =	swait.ge [sflag:s8], $0x6000  }
0x1fc: {  	[sflag:s8] =	ssyncset.done $0x0  }
0x1fd: {  	s3 =	rddreg [dreg:$0x1f];
	[sflag:s8] =	ssyncadd.s32 $0xFFFFA000  }
0x1fe: {  	[tilespmem:s9], [sflag:$0x3] =	stream.linear.gather [hbm4b:s3+s2], $0x6000, $0x38;
	[tilespmem:$0x1E000] =	vst v63  }
0x1ff: {  	_ =	swait.ge [sflag:s20], $0x6000  }
0x200: {  	s17 =	sld [smem:$0x7E2]  }
0x201: {  	[sflag:s20] =	ssyncset.done $0x0  }
0x202: {  	[sflag:s20] =	ssyncadd.s32 $0xFFFFA000  }
0x203: {  	[hbm4b:s17+s2] =	stream.linear.scatter [tilespmem:s30], [sflag:$0x8], $0x6000, $0x38;
	[tilespmem:$0x1E000] =	vst v63  }
0x204: {  	_ =	swait.ge [sflag:s6], $0x6000  }
0x205: {  	s3 =	sld [smem:$0x7E3]  }
0x206: {  	[sflag:s6] =	ssyncset.done $0x0  }
0x207: {  	s17 =	sld [smem:$0x7E4];
	[sflag:s6] =	ssyncadd.s32 $0xFFFFA000  }
0x208: {  	[tilespmem:s5], [sflag:$0x4] =	stream.linear.gather [hbm4b:s3+s2], $0x6000, $0x38;
	[tilespmem:$0x1E000] =	vst v63  }
0x209: {  	_ = 	snop  }
0x20a: {  	[tilespmem:s2], [sflag:$0x1] =	stream.linear.gather [hbm4b:s17+s2], $0x6000, $0x38;
	[tilespmem:$0x1E000] =	vst v63  }
0x20b: {  	_ =	swait.ge [sflag:s31], $0x6000  }
0x20c: {  	[sflag:s31] =	ssyncset.done $0x0  }
0x20d: {  	[sflag:s31] =	ssyncadd.s32 $0xFFFFA000  }
0x20e: {  	_ =	swait.ge [sflag:s12], $0x6000  }
0x20f: {  	s17 =	sld [smem:$0x7E5]  }
0x210: {  	[sflag:s12] =	ssyncset.done $0x0  }
0x211: {  	[sflag:s12] =	ssyncadd.s32 $0xFFFFA000  }
0x212: {  	[hbm4b:s17+s2] =	stream.linear.scatter [tilespmem:s9], [sflag:$0x6], $0x6000, $0x38;
	[tilespmem:$0x1E000] =	vst v63  }
0x213: {  	_ =	swait.ge [sflag:s14], $0x6000  }
0x214: {  	s3 =	sld [smem:$0x7E6]  }
0x215: {  	[sflag:s14] =	ssyncset.done $0x0  }
0x216: {  	[sflag:s14] =	ssyncadd.s32 $0xFFFFA000  }
0x217: {  	[tilespmem:s30], [sflag:$0x5] =	stream.linear.gather [hbm4b:s3+s2], $0x6000, $0x38;
	[tilespmem:$0x1E000] =	vst v63  }
0x218: {  	_ =	swait.ge [sflag:s13], $0x6000  }
0x219: {  	s17 =	sld [smem:$0x7E7]  }
0x21a: {  	[sflag:s13] =	ssyncset.done $0x0  }
0x21b: {  	[sflag:s13] =	ssyncadd.s32 $0xFFFFA000  }
0x21c: {  	[hbm4b:s17+s2] =	stream.linear.scatter [tilespmem:s5], [sflag:$0x7], $0x6000, $0x38;
	[tilespmem:$0x1E000] =	vst v63  }
0x21d: {  	_ =	swait.ge [sflag:s8], $0x6000  }
0x21e: {  	s3 =	sld [smem:$0x7E8]  }
0x21f: {  	[sflag:s8] =	ssyncset.done $0x0  }
0x220: {  	[sflag:s8] =	ssyncadd.s32 $0xFFFFA000  }
0x221: {  	[tilespmem:s9], [sflag:$0x3] =	stream.linear.gather [hbm4b:s3+s2], $0x6000, $0x38;
	[tilespmem:$0x1E000] =	vst v63  }
0x222: {  	_ =	swait.ge [sflag:s20], $0x6000  }
0x223: {  	s17 =	sld [smem:$0x7E9]  }
0x224: {  	[sflag:s20] =	ssyncset.done $0x0  }
0x225: {  	[sflag:s20] =	ssyncadd.s32 $0xFFFFA000  }
0x226: {  	[hbm4b:s17+s2] =	stream.linear.scatter [tilespmem:s30], [sflag:$0x8], $0x6000, $0x38;
	[tilespmem:$0x1E000] =	vst v63  }
0x227: {  	_ =	swait.ge [sflag:s6], $0x6000  }
0x228: {  	s3 =	sld [smem:$0x7EA]  }
0x229: {  	[sflag:s6] =	ssyncset.done $0x0  }
0x22a: {  	[sflag:s6] =	ssyncadd.s32 $0xFFFFA000  }
0x22b: {  	[tilespmem:s5], [sflag:$0x4] =	stream.linear.gather [hbm4b:s3+s2], $0x6000, $0x38;
	[tilespmem:$0x1E000] =	vst v63  }
0x22c: {  	_ =	swait.ge [sflag:s12], $0x6000  }
0x22d: {  	s17 =	sld [smem:$0x7EB]  }
0x22e: {  	[sflag:s12] =	ssyncset.done $0x0  }
0x22f: {  	[sflag:s12] =	ssyncadd.s32 $0xFFFFA000  }
0x230: {  	[hbm4b:s17+s2] =	stream.linear.scatter [tilespmem:s9], [sflag:$0x6], $0x6000, $0x38;
	[tilespmem:$0x1E000] =	vst v63  }
0x231: {  	_ =	swait.ge [sflag:s14], $0x6000  }
0x232: {  	s3 =	sld [smem:$0x7EC]  }
0x233: {  	[sflag:s14] =	ssyncset.done $0x0  }
0x234: {  	s17 =	sld [smem:$0x7ED];
	[sflag:s14] =	ssyncadd.s32 $0xFFFFA000  }
0x235: {  	[tilespmem:s30], [sflag:$0x5] =	stream.linear.gather [hbm4b:s3+s2], $0x6000, $0x38;
	[tilespmem:$0x1E000] =	vst v63  }
0x236: {  	s31 =	simm.s32 $0x1  }
0x237: {  	[tilespmem:s26], [sflag:$0x2] =	stream.linear.gather [hbm4b:s17+s2], $0x6000, $0x38;
	[tilespmem:$0x1E000] =	vst v63  }
0x238: {  	_ =	swait.ge [sflag:s31], $0x6000  }
0x239: {  	[sflag:s31] =	ssyncset.done $0x0  }
0x23a: {  	[sflag:s31] =	ssyncadd.s32 $0xFFFFA000  }
0x23b: {  	_ =	swait.ge [sflag:s13], $0x6000  }
0x23c: {  	s17 =	sld [smem:$0x7EE]  }
0x23d: {  	[sflag:s13] =	ssyncset.done $0x0  }
0x23e: {  	[sflag:s13] =	ssyncadd.s32 $0xFFFFA000  }
0x23f: {  	[hbm4b:s17+s2] =	stream.linear.scatter [tilespmem:s5], [sflag:$0x7], $0x6000, $0x38;
	[tilespmem:$0x1E000] =	vst v63  }
0x240: {  	_ =	swait.ge [sflag:s8], $0x6000  }
0x241: {  	s3 =	sld [smem:$0x7EF]  }
0x242: {  	[sflag:s8] =	ssyncset.done $0x0  }
0x243: {  	[sflag:s8] =	ssyncadd.s32 $0xFFFFA000  }
0x244: {  	[tilespmem:s9], [sflag:$0x3] =	stream.linear.gather [hbm4b:s3+s2], $0x6000, $0x38;
	[tilespmem:$0x1E000] =	vst v63  }
0x245: {  	_ =	swait.ge [sflag:s20], $0x6000  }
0x246: {  	s17 =	sld [smem:$0x7F0]  }
0x247: {  	[sflag:s20] =	ssyncset.done $0x0  }
0x248: {  	[sflag:s20] =	ssyncadd.s32 $0xFFFFA000  }
0x249: {  	[hbm4b:s17+s2] =	stream.linear.scatter [tilespmem:s30], [sflag:$0x8], $0x6000, $0x38;
	[tilespmem:$0x1E000] =	vst v63  }
0x24a: {  	_ =	swait.ge [sflag:s6], $0x6000  }
0x24b: {  	s3 =	sld [smem:$0x7F1]  }
0x24c: {  	[sflag:s6] =	ssyncset.done $0x0  }
0x24d: {  	[sflag:s6] =	ssyncadd.s32 $0xFFFFA000  }
0x24e: {  	[tilespmem:s5], [sflag:$0x4] =	stream.linear.gather [hbm4b:s3+s2], $0x6000, $0x38;
	[tilespmem:$0x1E000] =	vst v63  }
0x24f: {  	_ =	swait.ge [sflag:s12], $0x6000  }
0x250: {  	s17 =	sld [smem:$0x7F2]  }
0x251: {  	[sflag:s12] =	ssyncset.done $0x0  }
0x252: {  	[sflag:s12] =	ssyncadd.s32 $0xFFFFA000  }
0x253: {  	[hbm4b:s17+s2] =	stream.linear.scatter [tilespmem:s9], [sflag:$0x6], $0x6000, $0x38;
	[tilespmem:$0x1E000] =	vst v63  }
0x254: {  	_ =	swait.ge [sflag:s14], $0x6000  }
0x255: {  	s3 =	sld [smem:$0x7F3]  }
0x256: {  	[sflag:s14] =	ssyncset.done $0x0  }
0x257: {  	[sflag:s14] =	ssyncadd.s32 $0xFFFFA000  }
0x258: {  	[tilespmem:s30], [sflag:$0x5] =	stream.linear.gather [hbm4b:s3+s2], $0x6000, $0x38;
	[tilespmem:$0x1E000] =	vst v63  }
0x259: {  	_ =	swait.ge [sflag:s13], $0x6000  }
0x25a: {  	s17 =	sld [smem:$0x7F4]  }
0x25b: {  	[sflag:s13] =	ssyncset.done $0x0  }
0x25c: {  	[sflag:s13] =	ssyncadd.s32 $0xFFFFA000  }
0x25d: {  	[hbm4b:s17+s2] =	stream.linear.scatter [tilespmem:s5], [sflag:$0x7], $0x6000, $0x38;
	[tilespmem:$0x1E000] =	vst v63  }
0x25e: {  	_ =	swait.ge [sflag:s8], $0x6000  }
0x25f: {  	s3 =	sld [smem:$0x7F5]  }
0x260: {  	[sflag:s8] =	ssyncset.done $0x0  }
0x261: {  	s17 =	sld [smem:$0x7F6];
	[sflag:s8] =	ssyncadd.s32 $0xFFFFA000  }
0x262: {  	[tilespmem:s9], [sflag:$0x3] =	stream.linear.gather [hbm4b:s3+s2], $0x6000, $0x38;
	[tilespmem:$0x1E000] =	vst v63  }
0x263: {  	s26 =	simm.s32 $0x2  }
0x264: {  	[tilespmem:s2], [sflag:$0x1] =	stream.linear.gather [hbm4b:s17+s2], $0x6000, $0x38;
	[tilespmem:$0x1E000] =	vst v63  }
0x265: {  	s17 =	sld [smem:$0x7E1];
	_ =	swait.ge [sflag:s26], $0x6000  }
0x266: {  	[sflag:s26] =	ssyncset.done $0x0  }
0x267: {  	[sflag:s26] =	ssyncadd.s32 $0xFFFFA000  }
0x268: {  	_ =	swait.ge [sflag:s20], $0x6000  }
0x269: {  	s0 =	sld [smem:$0x7F7]  }
0x26a: {  	[sflag:s20] =	ssyncset.done $0x0  }
0x26b: {  	[sflag:s20] =	ssyncadd.s32 $0xFFFFA000  }
0x26c: {  	[hbm4b:s0+s2] =	stream.linear.scatter [tilespmem:s30], [sflag:$0x8], $0x6000, $0x38;
	[tilespmem:$0x1E000] =	vst v63  }
0x26d: {  	_ =	swait.ge [sflag:s6], $0x6000  }
0x26e: {  	s0 =	sld [smem:$0x7F8]  }
0x26f: {  	[sflag:s6] =	ssyncset.done $0x0  }
0x270: {  	[sflag:s6] =	ssyncadd.s32 $0xFFFFA000  }
0x271: {  	[tilespmem:s5], [sflag:$0x4] =	stream.linear.gather [hbm4b:s0+s2], $0x6000, $0x38;
	[tilespmem:$0x1E000] =	vst v63  }
0x272: {  	_ =	swait.ge [sflag:s12], $0x6000  }
0x273: {  	s0 =	sld [smem:$0x7F9]  }
0x274: {  	[sflag:s12] =	ssyncset.done $0x0  }
0x275: {  	[sflag:s12] =	ssyncadd.s32 $0xFFFFA000  }
0x276: {  	[hbm4b:s0+s2] =	stream.linear.scatter [tilespmem:s9], [sflag:$0x6], $0x6000, $0x38;
	[tilespmem:$0x1E000] =	vst v63  }
0x277: {  	_ =	swait.ge [sflag:s14], $0x6000  }
0x278: {  	s0 =	sld [smem:$0x7FA]  }
0x279: {  	[sflag:s14] =	ssyncset.done $0x0  }
0x27a: {  	[sflag:s14] =	ssyncadd.s32 $0xFFFFA000  }
0x27b: {  	[tilespmem:s30], [sflag:$0x5] =	stream.linear.gather [hbm4b:s0+s2], $0x6000, $0x38;
	[tilespmem:$0x1E000] =	vst v63  }
0x27c: {  	_ =	swait.ge [sflag:s13], $0x6000  }
0x27d: {  	s0 =	sld [smem:$0x7FB]  }
0x27e: {  	[sflag:s13] =	ssyncset.done $0x0  }
0x27f: {  	[sflag:s13] =	ssyncadd.s32 $0xFFFFA000  }
0x280: {  	[hbm4b:s0+s2] =	stream.linear.scatter [tilespmem:s5], [sflag:$0x7], $0x6000, $0x38;
	[tilespmem:$0x1E000] =	vst v63  }
0x281: {  	_ =	swait.ge [sflag:s8], $0x6000  }
0x282: {  	s0 =	sld [smem:$0x7FC]  }
0x283: {  	[sflag:s8] =	ssyncset.done $0x0  }
0x284: {  	s3 =	smov.u32 s4;
	[sflag:s8] =	ssyncadd.s32 $0xFFFFA000  }
0x285: {  	[tilespmem:s9], [sflag:$0x3] =	stream.linear.gather [hbm4b:s0+s2], $0x6000, $0x38;
	[tilespmem:$0x1E000] =	vst v63  }
0x286: {  	s4 =	smov.u32 s7;
	s7 =	smov.u32 s10;
	_ =	swait.ge [sflag:s20], $0x6000  }
0x287: {  	s10 =	smov.u32 s11;
	s11 =	smov.u32 s15;
	s0 =	sld [smem:$0x7FD]  }
0x288: {  	s15 =	smov.u32 s16;
	s16 =	smov.u32 s18;
	[sflag:s20] =	ssyncset.done $0x0  }
0x289: {  	s18 =	smov.u32 s19;
	s19 =	smov.u32 s21;
	[sflag:s20] =	ssyncadd.s32 $0xFFFFA000  }
0x28a: {  	[hbm4b:s0+s2] =	stream.linear.scatter [tilespmem:s30], [sflag:$0x8], $0x6000, $0x38;
	[tilespmem:$0x1E000] =	vst v63  }
0x28b: {  	s21 =	smov.u32 s22;
	s22 =	smov.u32 s23;
	_ =	swait.ge [sflag:s6], $0x6000  }
0x28c: {  	s23 =	smov.u32 s24;
	s24 =	smov.u32 s25;
	[sflag:s6] =	ssyncset.done $0x0  }
0x28d: {  	s25 =	smov.u32 s28;
	s28 =	smov.u32 s29;
	[sflag:s6] =	ssyncadd.s32 $0xFFFFA000  }
0x28e: {  	[tilespmem:s5], [sflag:$0x4] =	stream.linear.gather [hbm4b:s28+s2], $0x6000, $0x38;
	[tilespmem:$0x1E000] =	vst v63  }
0x28f: {  	s29 =	simm.s32 $0x6000  }
0x290: {  	[tilespmem:s29], [sflag:$0x2] =	stream.linear.gather [hbm4b:s17+s2], $0x6000, $0x38;
	[tilespmem:$0x1E000] =	vst v63  }
0x291: {  	_ =	swait.ge [sflag:s31], $0x6000  }
0x292: {  	[sflag:s31] =	ssyncset.done $0x0  }
0x293: {  	[sflag:s31] =	ssyncadd.s32 $0xFFFFA000  }
0x294: {  	_ =	swait.ge [sflag:s12], $0x6000  }
0x295: {  	[sflag:s12] =	ssyncset.done $0x0  }
0x296: {  	[sflag:s12] =	ssyncadd.s32 $0xFFFFA000  }
0x297: {  	[hbm4b:s25+s2] =	stream.linear.scatter [tilespmem:s9], [sflag:$0x6], $0x6000, $0x38;
	[tilespmem:$0x1E000] =	vst v63  }
0x298: {  	_ =	swait.ge [sflag:s14], $0x6000  }
0x299: {  	[sflag:s14] =	ssyncset.done $0x0  }
0x29a: {  	[sflag:s14] =	ssyncadd.s32 $0xFFFFA000  }
0x29b: {  	[tilespmem:s30], [sflag:$0x5] =	stream.linear.gather [hbm4b:s24+s2], $0x6000, $0x38;
	[tilespmem:$0x1E000] =	vst v63  }
0x29c: {  	_ =	swait.ge [sflag:s13], $0x6000  }
0x29d: {  	[sflag:s13] =	ssyncset.done $0x0  }
0x29e: {  	[sflag:s13] =	ssyncadd.s32 $0xFFFFA000  }
0x29f: {  	[hbm4b:s23+s2] =	stream.linear.scatter [tilespmem:s5], [sflag:$0x7], $0x6000, $0x38;
	[tilespmem:$0x1E000] =	vst v63  }
0x2a0: {  	_ =	swait.ge [sflag:s8], $0x6000  }
0x2a1: {  	[sflag:s8] =	ssyncset.done $0x0  }
0x2a2: {  	[sflag:s8] =	ssyncadd.s32 $0xFFFFA000  }
0x2a3: {  	[tilespmem:s9], [sflag:$0x3] =	stream.linear.gather [hbm4b:s22+s2], $0x6000, $0x38;
	[tilespmem:$0x1E000] =	vst v63  }
0x2a4: {  	_ =	swait.ge [sflag:s20], $0x6000  }
0x2a5: {  	[sflag:s20] =	ssyncset.done $0x0  }
0x2a6: {  	[sflag:s20] =	ssyncadd.s32 $0xFFFFA000  }
0x2a7: {  	[hbm4b:s21+s2] =	stream.linear.scatter [tilespmem:s30], [sflag:$0x8], $0x6000, $0x38;
	[tilespmem:$0x1E000] =	vst v63  }
0x2a8: {  	_ =	swait.ge [sflag:s6], $0x6000  }
0x2a9: {  	[sflag:s6] =	ssyncset.done $0x0  }
0x2aa: {  	[sflag:s6] =	ssyncadd.s32 $0xFFFFA000  }
0x2ab: {  	[tilespmem:s5], [sflag:$0x4] =	stream.linear.gather [hbm4b:s19+s2], $0x6000, $0x38;
	[tilespmem:$0x1E000] =	vst v63  }
0x2ac: {  	_ =	swait.ge [sflag:s12], $0x6000  }
0x2ad: {  	[sflag:s12] =	ssyncset.done $0x0  }
0x2ae: {  	[sflag:s12] =	ssyncadd.s32 $0xFFFFA000  }
0x2af: {  	[hbm4b:s18+s2] =	stream.linear.scatter [tilespmem:s9], [sflag:$0x6], $0x6000, $0x38;
	[tilespmem:$0x1E000] =	vst v63  }
0x2b0: {  	_ =	swait.ge [sflag:s14], $0x6000  }
0x2b1: {  	[sflag:s14] =	ssyncset.done $0x0  }
0x2b2: {  	[sflag:s14] =	ssyncadd.s32 $0xFFFFA000  }
0x2b3: {  	[tilespmem:s30], [sflag:$0x5] =	stream.linear.gather [hbm4b:s16+s2], $0x6000, $0x38;
	[tilespmem:$0x1E000] =	vst v63  }
0x2b4: {  	_ =	swait.ge [sflag:s26], $0x6000  }
0x2b5: {  	[sflag:s26] =	ssyncset.done $0x0  }
0x2b6: {  	[sflag:s26] =	ssyncadd.s32 $0xFFFFA000  }
0x2b7: {  	_ =	swait.ge [sflag:s13], $0x6000  }
0x2b8: {  	[sflag:s13] =	ssyncset.done $0x0  }
0x2b9: {  	[sflag:s13] =	ssyncadd.s32 $0xFFFFA000  }
0x2ba: {  	[hbm4b:s15+s2] =	stream.linear.scatter [tilespmem:s5], [sflag:$0x7], $0x6000, $0x38;
	[tilespmem:$0x1E000] =	vst v63  }
0x2bb: {  	_ =	swait.ge [sflag:s8], $0x6000  }
0x2bc: {  	[sflag:s8] =	ssyncset.done $0x0  }
0x2bd: {  	[sflag:s8] =	ssyncadd.s32 $0xFFFFA000  }
0x2be: {  	[tilespmem:s9], [sflag:$0x3] =	stream.linear.gather [hbm4b:s11+s2], $0x6000, $0x38;
	[tilespmem:$0x1E000] =	vst v63  }
0x2bf: {  	_ =	swait.ge [sflag:s20], $0x6000  }
0x2c0: {  	[sflag:s20] =	ssyncset.done $0x0  }
0x2c1: {  	[sflag:s20] =	ssyncadd.s32 $0xFFFFA000  }
0x2c2: {  	[hbm4b:s10+s2] =	stream.linear.scatter [tilespmem:s30], [sflag:$0x8], $0x6000, $0x38;
	[tilespmem:$0x1E000] =	vst v63  }
0x2c3: {  	_ =	swait.ge [sflag:s6], $0x6000  }
0x2c4: {  	[sflag:s6] =	ssyncset.done $0x0  }
0x2c5: {  	[sflag:s6] =	ssyncadd.s32 $0xFFFFA000  }
0x2c6: {  	[tilespmem:s5], [sflag:$0x4] =	stream.linear.gather [hbm4b:s7+s2], $0x6000, $0x38;
	[tilespmem:$0x1E000] =	vst v63  }
0x2c7: {  	_ =	swait.ge [sflag:s12], $0x6000  }
0x2c8: {  	[sflag:s12] =	ssyncset.done $0x0  }
0x2c9: {  	[sflag:s12] =	ssyncadd.s32 $0xFFFFA000  }
0x2ca: {  	[hbm4b:s4+s2] =	stream.linear.scatter [tilespmem:s9], [sflag:$0x6], $0x6000, $0x38;
	[tilespmem:$0x1E000] =	vst v63  }
0x2cb: {  	_ =	swait.ge [sflag:s13], $0x6000  }
0x2cc: {  	[sflag:s13] =	ssyncset.done $0x0  }
0x2cd: {  	[sflag:s13] =	ssyncadd.s32 $0xFFFFA000  }
0x2ce: {  	[hbm4b:s3+s2] =	stream.linear.scatter [tilespmem:s5], [sflag:$0x7], $0x6000, $0x38;
	[tilespmem:$0x1E000] =	vst v63  }
0x2cf: {  	_ =	swait.ge [sflag:s14], $0x6000  }
0x2d0: {  	[sflag:s14] =	ssyncset.done $0x0  }
0x2d1: {  	p1 =	sne.s32 s1, $0x1;
	[sflag:s14] =	ssyncadd.s32 $0xFFFFA000  }
.Ltmp2:
0x2d2: {  	_ =	swait.ge [sflag:s8], $0x6000;
	(pc) =	sbr.rel @p1 .LBB2_2-.Ltmp2, $4  }
0x2d3: {  	[sflag:s8] =	ssyncset.done $0x0  }
0x2d4: {  	[sflag:s8] =	ssyncadd.s32 $0xFFFFA000  }
0x2d5: {  	_ =	swait.ge [sflag:s6], $0x6000  }
0x2d6: {  	s1 =	sadd.s32 $0xFFFFFFFF, s1;
	s0 =	rddreg [dreg:$0x4];
	[sflag:s6] =	ssyncset.done $0x0  }
.LBB2_3:
0x2d7: {  	[sflag:s6] =	ssyncadd.s32 @p0 $0xFFFFA000  }
0x2d8: {  	[tilespmem:s2], [sflag:$0x1] =	stream.linear.gather [hbm4b:s0+s2], $0x6000, $0x38;
	[tilespmem:$0x1E000] =	vst v63  }
0x2d9: {  	s1 =	rddreg [dreg:$0x5]  }
0x2da: {  	[tilespmem:s29], [sflag:$0x2] =	stream.linear.gather [hbm4b:s1+s2], $0x6000, $0x38;
	[tilespmem:$0x1E000] =	vst v63  }
0x2db: {  	s0 =	rddreg [dreg:$0x6]  }
0x2dc: {  	[tilespmem:s9], [sflag:$0x3] =	stream.linear.gather [hbm4b:s0+s2], $0x6000, $0x38;
	[tilespmem:$0x1E000] =	vst v63  }
0x2dd: {  	s1 =	rddreg [dreg:$0x7]  }
0x2de: {  	[tilespmem:s5], [sflag:$0x4] =	stream.linear.gather [hbm4b:s1+s2], $0x6000, $0x38;
	[tilespmem:$0x1E000] =	vst v63  }
0x2df: {  	_ =	swait.ge [sflag:s31], $0x6000  }
0x2e0: {  	[sflag:s31] =	ssyncset.done $0x0  }
0x2e1: {  	[sflag:s31] =	ssyncadd.s32 $0xFFFFA000  }
0x2e2: {  	_ =	swait.ge [sflag:s12], $0x6000  }
0x2e3: {  	[sflag:s12] =	ssyncset.done $0x0  }
0x2e4: {  	s0 =	rddreg [dreg:$0x8];
	[sflag:s12] =	ssyncadd.s32 $0xFFFFA000  }
0x2e5: {  	[hbm4b:s0+s2] =	stream.linear.scatter [tilespmem:s9], [sflag:$0x6], $0x6000, $0x38;
	[tilespmem:$0x1E000] =	vst v63  }
0x2e6: {  	s1 =	rddreg [dreg:$0x9]  }
0x2e7: {  	[tilespmem:s30], [sflag:$0x5] =	stream.linear.gather [hbm4b:s1+s2], $0x6000, $0x38;
	[tilespmem:$0x1E000] =	vst v63  }
0x2e8: {  	_ =	swait.ge [sflag:s13], $0x6000  }
0x2e9: {  	[sflag:s13] =	ssyncset.done $0x0  }
0x2ea: {  	s1 =	rddreg [dreg:$0xa];
	[sflag:s13] =	ssyncadd.s32 $0xFFFFA000  }
0x2eb: {  	[hbm4b:s1+s2] =	stream.linear.scatter [tilespmem:s5], [sflag:$0x7], $0x6000, $0x38;
	[tilespmem:$0x1E000] =	vst v63  }
0x2ec: {  	_ =	swait.ge [sflag:s8], $0x6000  }
0x2ed: {  	[sflag:s8] =	ssyncset.done $0x0  }
0x2ee: {  	s1 =	rddreg [dreg:$0xb];
	[sflag:s8] =	ssyncadd.s32 $0xFFFFA000  }
0x2ef: {  	[tilespmem:s9], [sflag:$0x3] =	stream.linear.gather [hbm4b:s1+s2], $0x6000, $0x38;
	[tilespmem:$0x1E000] =	vst v63  }
0x2f0: {  	_ =	swait.ge [sflag:s20], $0x6000  }
0x2f1: {  	[sflag:s20] =	ssyncset.done $0x0  }
0x2f2: {  	s1 =	rddreg [dreg:$0xc];
	[sflag:s20] =	ssyncadd.s32 $0xFFFFA000  }
0x2f3: {  	[hbm4b:s1+s2] =	stream.linear.scatter [tilespmem:s30], [sflag:$0x8], $0x6000, $0x38;
	[tilespmem:$0x1E000] =	vst v63  }
0x2f4: {  	_ =	swait.ge [sflag:s6], $0x6000  }
0x2f5: {  	[sflag:s6] =	ssyncset.done $0x0  }
0x2f6: {  	s1 =	rddreg [dreg:$0xd];
	[sflag:s6] =	ssyncadd.s32 $0xFFFFA000  }
0x2f7: {  	[tilespmem:s5], [sflag:$0x4] =	stream.linear.gather [hbm4b:s1+s2], $0x6000, $0x38;
	[tilespmem:$0x1E000] =	vst v63  }
0x2f8: {  	_ =	swait.ge [sflag:s12], $0x6000  }
0x2f9: {  	[sflag:s12] =	ssyncset.done $0x0  }
0x2fa: {  	s1 =	rddreg [dreg:$0xe];
	[sflag:s12] =	ssyncadd.s32 $0xFFFFA000  }
0x2fb: {  	[hbm4b:s1+s2] =	stream.linear.scatter [tilespmem:s9], [sflag:$0x6], $0x6000, $0x38;
	[tilespmem:$0x1E000] =	vst v63  }
0x2fc: {  	_ =	swait.ge [sflag:s14], $0x6000  }
0x2fd: {  	[sflag:s14] =	ssyncset.done $0x0  }
0x2fe: {  	s0 =	rddreg [dreg:$0xf];
	[sflag:s14] =	ssyncadd.s32 $0xFFFFA000  }
0x2ff: {  	[tilespmem:s30], [sflag:$0x5] =	stream.linear.gather [hbm4b:s0+s2], $0x6000, $0x38;
	[tilespmem:$0x1E000] =	vst v63  }
0x300: {  	s1 =	rddreg [dreg:$0x10]  }
0x301: {  	[tilespmem:s2], [sflag:$0x1] =	stream.linear.gather [hbm4b:s1+s2], $0x6000, $0x38;
	[tilespmem:$0x1E000] =	vst v63  }
0x302: {  	_ =	swait.ge [sflag:s26], $0x6000  }
0x303: {  	[sflag:s26] =	ssyncset.done $0x0  }
0x304: {  	[sflag:s26] =	ssyncadd.s32 $0xFFFFA000  }
0x305: {  	_ =	swait.ge [sflag:s13], $0x6000  }
0x306: {  	[sflag:s13] =	ssyncset.done $0x0  }
0x307: {  	s1 =	rddreg [dreg:$0x11];
	[sflag:s13] =	ssyncadd.s32 $0xFFFFA000  }
0x308: {  	[hbm4b:s1+s2] =	stream.linear.scatter [tilespmem:s5], [sflag:$0x7], $0x6000, $0x38;
	[tilespmem:$0x1E000] =	vst v63  }
0x309: {  	_ =	swait.ge [sflag:s8], $0x6000  }
0x30a: {  	[sflag:s8] =	ssyncset.done $0x0  }
0x30b: {  	s1 =	rddreg [dreg:$0x12];
	[sflag:s8] =	ssyncadd.s32 $0xFFFFA000  }
0x30c: {  	[tilespmem:s9], [sflag:$0x3] =	stream.linear.gather [hbm4b:s1+s2], $0x6000, $0x38;
	[tilespmem:$0x1E000] =	vst v63  }
0x30d: {  	_ =	swait.ge [sflag:s20], $0x6000  }
0x30e: {  	[sflag:s20] =	ssyncset.done $0x0  }
0x30f: {  	s1 =	rddreg [dreg:$0x13];
	[sflag:s20] =	ssyncadd.s32 $0xFFFFA000  }
0x310: {  	[hbm4b:s1+s2] =	stream.linear.scatter [tilespmem:s30], [sflag:$0x8], $0x6000, $0x38;
	[tilespmem:$0x1E000] =	vst v63  }
0x311: {  	_ =	swait.ge [sflag:s6], $0x6000  }
0x312: {  	[sflag:s6] =	ssyncset.done $0x0  }
0x313: {  	s1 =	rddreg [dreg:$0x14];
	[sflag:s6] =	ssyncadd.s32 $0xFFFFA000  }
0x314: {  	[tilespmem:s5], [sflag:$0x4] =	stream.linear.gather [hbm4b:s1+s2], $0x6000, $0x38;
	[tilespmem:$0x1E000] =	vst v63  }
0x315: {  	_ =	swait.ge [sflag:s12], $0x6000  }
0x316: {  	[sflag:s12] =	ssyncset.done $0x0  }
0x317: {  	s1 =	rddreg [dreg:$0x15];
	[sflag:s12] =	ssyncadd.s32 $0xFFFFA000  }
0x318: {  	[hbm4b:s1+s2] =	stream.linear.scatter [tilespmem:s9], [sflag:$0x6], $0x6000, $0x38;
	[tilespmem:$0x1E000] =	vst v63  }
0x319: {  	_ =	swait.ge [sflag:s14], $0x6000  }
0x31a: {  	[sflag:s14] =	ssyncset.done $0x0  }
0x31b: {  	s1 =	rddreg [dreg:$0x16];
	[sflag:s14] =	ssyncadd.s32 $0xFFFFA000  }
0x31c: {  	[tilespmem:s30], [sflag:$0x5] =	stream.linear.gather [hbm4b:s1+s2], $0x6000, $0x38;
	[tilespmem:$0x1E000] =	vst v63  }
0x31d: {  	_ =	swait.ge [sflag:s13], $0x6000  }
0x31e: {  	[sflag:s13] =	ssyncset.done $0x0  }
0x31f: {  	s1 =	rddreg [dreg:$0x17];
	[sflag:s13] =	ssyncadd.s32 $0xFFFFA000  }
0x320: {  	[hbm4b:s1+s2] =	stream.linear.scatter [tilespmem:s5], [sflag:$0x7], $0x6000, $0x38;
	[tilespmem:$0x1E000] =	vst v63  }
0x321: {  	_ =	swait.ge [sflag:s8], $0x6000  }
0x322: {  	[sflag:s8] =	ssyncset.done $0x0  }
0x323: {  	s0 =	rddreg [dreg:$0x18];
	[sflag:s8] =	ssyncadd.s32 $0xFFFFA000  }
0x324: {  	[tilespmem:s9], [sflag:$0x3] =	stream.linear.gather [hbm4b:s0+s2], $0x6000, $0x38;
	[tilespmem:$0x1E000] =	vst v63  }
0x325: {  	s1 =	rddreg [dreg:$0x19]  }
0x326: {  	[tilespmem:s29], [sflag:$0x2] =	stream.linear.gather [hbm4b:s1+s2], $0x6000, $0x38;
	[tilespmem:$0x1E000] =	vst v63  }
0x327: {  	_ =	swait.ge [sflag:s31], $0x6000  }
0x328: {  	[sflag:s31] =	ssyncset.done $0x0  }
0x329: {  	[sflag:s31] =	ssyncadd.s32 $0xFFFFA000  }
0x32a: {  	_ =	swait.ge [sflag:s20], $0x6000  }
0x32b: {  	[sflag:s20] =	ssyncset.done $0x0  }
0x32c: {  	s1 =	rddreg [dreg:$0x1a];
	[sflag:s20] =	ssyncadd.s32 $0xFFFFA000  }
0x32d: {  	[hbm4b:s1+s2] =	stream.linear.scatter [tilespmem:s30], [sflag:$0x8], $0x6000, $0x38;
	[tilespmem:$0x1E000] =	vst v63  }
0x32e: {  	_ =	swait.ge [sflag:s6], $0x6000  }
0x32f: {  	[sflag:s6] =	ssyncset.done $0x0  }
0x330: {  	s1 =	rddreg [dreg:$0x1b];
	[sflag:s6] =	ssyncadd.s32 $0xFFFFA000  }
0x331: {  	[tilespmem:s5], [sflag:$0x4] =	stream.linear.gather [hbm4b:s1+s2], $0x6000, $0x38;
	[tilespmem:$0x1E000] =	vst v63  }
0x332: {  	_ =	swait.ge [sflag:s12], $0x6000  }
0x333: {  	[sflag:s12] =	ssyncset.done $0x0  }
0x334: {  	s1 =	rddreg [dreg:$0x1c];
	[sflag:s12] =	ssyncadd.s32 $0xFFFFA000  }
0x335: {  	[hbm4b:s1+s2] =	stream.linear.scatter [tilespmem:s9], [sflag:$0x6], $0x6000, $0x38;
	[tilespmem:$0x1E000] =	vst v63  }
0x336: {  	_ =	swait.ge [sflag:s14], $0x6000  }
0x337: {  	[sflag:s14] =	ssyncset.done $0x0  }
0x338: {  	s1 =	rddreg [dreg:$0x1d];
	[sflag:s14] =	ssyncadd.s32 $0xFFFFA000  }
0x339: {  	[tilespmem:s30], [sflag:$0x5] =	stream.linear.gather [hbm4b:s1+s2], $0x6000, $0x38;
	[tilespmem:$0x1E000] =	vst v63  }
0x33a: {  	_ =	swait.ge [sflag:s13], $0x6000  }
0x33b: {  	[sflag:s13] =	ssyncset.done $0x0  }
0x33c: {  	s1 =	rddreg [dreg:$0x1e];
	[sflag:s13] =	ssyncadd.s32 $0xFFFFA000  }
0x33d: {  	[hbm4b:s1+s2] =	stream.linear.scatter [tilespmem:s5], [sflag:$0x7], $0x6000, $0x38;
	[tilespmem:$0x1E000] =	vst v63  }
0x33e: {  	_ =	swait.ge [sflag:s8], $0x6000  }
0x33f: {  	[sflag:s8] =	ssyncset.done $0x0  }
0x340: {  	s1 =	rddreg [dreg:$0x1f];
	[sflag:s8] =	ssyncadd.s32 $0xFFFFA000  }
0x341: {  	[tilespmem:s9], [sflag:$0x3] =	stream.linear.gather [hbm4b:s1+s2], $0x6000, $0x38;
	[tilespmem:$0x1E000] =	vst v63  }
0x342: {  	_ =	swait.ge [sflag:s20], $0x6000  }
0x343: {  	s1 =	sld [smem:$0x7E2]  }
0x344: {  	[sflag:s20] =	ssyncset.done $0x0  }
0x345: {  	[sflag:s20] =	ssyncadd.s32 $0xFFFFA000  }
0x346: {  	[hbm4b:s1+s2] =	stream.linear.scatter [tilespmem:s30], [sflag:$0x8], $0x6000, $0x38;
	[tilespmem:$0x1E000] =	vst v63  }
0x347: {  	_ =	swait.ge [sflag:s6], $0x6000  }
0x348: {  	s0 =	sld [smem:$0x7E3]  }
0x349: {  	[sflag:s6] =	ssyncset.done $0x0  }
0x34a: {  	s1 =	sld [smem:$0x7E4];
	[sflag:s6] =	ssyncadd.s32 $0xFFFFA000  }
0x34b: {  	[tilespmem:s5], [sflag:$0x4] =	stream.linear.gather [hbm4b:s0+s2], $0x6000, $0x38;
	[tilespmem:$0x1E000] =	vst v63  }
0x34c: {  	_ = 	snop  }
0x34d: {  	[tilespmem:s2], [sflag:$0x1] =	stream.linear.gather [hbm4b:s1+s2], $0x6000, $0x38;
	[tilespmem:$0x1E000] =	vst v63  }
0x34e: {  	_ =	swait.ge [sflag:s26], $0x6000  }
0x34f: {  	[sflag:s26] =	ssyncset.done $0x0  }
0x350: {  	[sflag:s26] =	ssyncadd.s32 $0xFFFFA000  }
0x351: {  	_ =	swait.ge [sflag:s12], $0x6000  }
0x352: {  	s1 =	sld [smem:$0x7E5]  }
0x353: {  	[sflag:s12] =	ssyncset.done $0x0  }
0x354: {  	[sflag:s12] =	ssyncadd.s32 $0xFFFFA000  }
0x355: {  	[hbm4b:s1+s2] =	stream.linear.scatter [tilespmem:s9], [sflag:$0x6], $0x6000, $0x38;
	[tilespmem:$0x1E000] =	vst v63  }
0x356: {  	_ =	swait.ge [sflag:s14], $0x6000  }
0x357: {  	s1 =	sld [smem:$0x7E6]  }
0x358: {  	[sflag:s14] =	ssyncset.done $0x0  }
0x359: {  	[sflag:s14] =	ssyncadd.s32 $0xFFFFA000  }
0x35a: {  	[tilespmem:s30], [sflag:$0x5] =	stream.linear.gather [hbm4b:s1+s2], $0x6000, $0x38;
	[tilespmem:$0x1E000] =	vst v63  }
0x35b: {  	_ =	swait.ge [sflag:s13], $0x6000  }
0x35c: {  	s1 =	sld [smem:$0x7E7]  }
0x35d: {  	[sflag:s13] =	ssyncset.done $0x0  }
0x35e: {  	[sflag:s13] =	ssyncadd.s32 $0xFFFFA000  }
0x35f: {  	[hbm4b:s1+s2] =	stream.linear.scatter [tilespmem:s5], [sflag:$0x7], $0x6000, $0x38;
	[tilespmem:$0x1E000] =	vst v63  }
0x360: {  	_ =	swait.ge [sflag:s8], $0x6000  }
0x361: {  	s1 =	sld [smem:$0x7E8]  }
0x362: {  	[sflag:s8] =	ssyncset.done $0x0  }
0x363: {  	[sflag:s8] =	ssyncadd.s32 $0xFFFFA000  }
0x364: {  	[tilespmem:s9], [sflag:$0x3] =	stream.linear.gather [hbm4b:s1+s2], $0x6000, $0x38;
	[tilespmem:$0x1E000] =	vst v63  }
0x365: {  	_ =	swait.ge [sflag:s20], $0x6000  }
0x366: {  	s1 =	sld [smem:$0x7E9]  }
0x367: {  	[sflag:s20] =	ssyncset.done $0x0  }
0x368: {  	[sflag:s20] =	ssyncadd.s32 $0xFFFFA000  }
0x369: {  	[hbm4b:s1+s2] =	stream.linear.scatter [tilespmem:s30], [sflag:$0x8], $0x6000, $0x38;
	[tilespmem:$0x1E000] =	vst v63  }
0x36a: {  	_ =	swait.ge [sflag:s6], $0x6000  }
0x36b: {  	s1 =	sld [smem:$0x7EA]  }
0x36c: {  	[sflag:s6] =	ssyncset.done $0x0  }
0x36d: {  	[sflag:s6] =	ssyncadd.s32 $0xFFFFA000  }
0x36e: {  	[tilespmem:s5], [sflag:$0x4] =	stream.linear.gather [hbm4b:s1+s2], $0x6000, $0x38;
	[tilespmem:$0x1E000] =	vst v63  }
0x36f: {  	_ =	swait.ge [sflag:s12], $0x6000  }
0x370: {  	s1 =	sld [smem:$0x7EB]  }
0x371: {  	[sflag:s12] =	ssyncset.done $0x0  }
0x372: {  	[sflag:s12] =	ssyncadd.s32 $0xFFFFA000  }
0x373: {  	[hbm4b:s1+s2] =	stream.linear.scatter [tilespmem:s9], [sflag:$0x6], $0x6000, $0x38;
	[tilespmem:$0x1E000] =	vst v63  }
0x374: {  	_ =	swait.ge [sflag:s14], $0x6000  }
0x375: {  	s0 =	sld [smem:$0x7EC]  }
0x376: {  	[sflag:s14] =	ssyncset.done $0x0  }
0x377: {  	s1 =	sld [smem:$0x7ED];
	[sflag:s14] =	ssyncadd.s32 $0xFFFFA000  }
0x378: {  	[tilespmem:s30], [sflag:$0x5] =	stream.linear.gather [hbm4b:s0+s2], $0x6000, $0x38;
	[tilespmem:$0x1E000] =	vst v63  }
0x379: {  	_ = 	snop  }
0x37a: {  	[tilespmem:s29], [sflag:$0x2] =	stream.linear.gather [hbm4b:s1+s2], $0x6000, $0x38;
	[tilespmem:$0x1E000] =	vst v63  }
0x37b: {  	_ =	swait.ge [sflag:s31], $0x6000  }
0x37c: {  	[sflag:s31] =	ssyncset.done $0x0  }
0x37d: {  	[sflag:s31] =	ssyncadd.s32 $0xFFFFA000  }
0x37e: {  	_ =	swait.ge [sflag:s13], $0x6000  }
0x37f: {  	s1 =	sld [smem:$0x7EE]  }
0x380: {  	[sflag:s13] =	ssyncset.done $0x0  }
0x381: {  	[sflag:s13] =	ssyncadd.s32 $0xFFFFA000  }
0x382: {  	[hbm4b:s1+s2] =	stream.linear.scatter [tilespmem:s5], [sflag:$0x7], $0x6000, $0x38;
	[tilespmem:$0x1E000] =	vst v63  }
0x383: {  	_ =	swait.ge [sflag:s8], $0x6000  }
0x384: {  	s1 =	sld [smem:$0x7EF]  }
0x385: {  	[sflag:s8] =	ssyncset.done $0x0  }
0x386: {  	[sflag:s8] =	ssyncadd.s32 $0xFFFFA000  }
0x387: {  	[tilespmem:s9], [sflag:$0x3] =	stream.linear.gather [hbm4b:s1+s2], $0x6000, $0x38;
	[tilespmem:$0x1E000] =	vst v63  }
0x388: {  	_ =	swait.ge [sflag:s20], $0x6000  }
0x389: {  	s1 =	sld [smem:$0x7F0]  }
0x38a: {  	[sflag:s20] =	ssyncset.done $0x0  }
0x38b: {  	[sflag:s20] =	ssyncadd.s32 $0xFFFFA000  }
0x38c: {  	[hbm4b:s1+s2] =	stream.linear.scatter [tilespmem:s30], [sflag:$0x8], $0x6000, $0x38;
	[tilespmem:$0x1E000] =	vst v63  }
0x38d: {  	_ =	swait.ge [sflag:s6], $0x6000  }
0x38e: {  	s1 =	sld [smem:$0x7F1]  }
0x38f: {  	[sflag:s6] =	ssyncset.done $0x0  }
0x390: {  	[sflag:s6] =	ssyncadd.s32 $0xFFFFA000  }
0x391: {  	[tilespmem:s5], [sflag:$0x4] =	stream.linear.gather [hbm4b:s1+s2], $0x6000, $0x38;
	[tilespmem:$0x1E000] =	vst v63  }
0x392: {  	_ =	swait.ge [sflag:s12], $0x6000  }
0x393: {  	s1 =	sld [smem:$0x7F2]  }
0x394: {  	[sflag:s12] =	ssyncset.done $0x0  }
0x395: {  	[sflag:s12] =	ssyncadd.s32 $0xFFFFA000  }
0x396: {  	[hbm4b:s1+s2] =	stream.linear.scatter [tilespmem:s9], [sflag:$0x6], $0x6000, $0x38;
	[tilespmem:$0x1E000] =	vst v63  }
0x397: {  	_ =	swait.ge [sflag:s14], $0x6000  }
0x398: {  	s1 =	sld [smem:$0x7F3]  }
0x399: {  	[sflag:s14] =	ssyncset.done $0x0  }
0x39a: {  	[sflag:s14] =	ssyncadd.s32 $0xFFFFA000  }
0x39b: {  	[tilespmem:s30], [sflag:$0x5] =	stream.linear.gather [hbm4b:s1+s2], $0x6000, $0x38;
	[tilespmem:$0x1E000] =	vst v63  }
0x39c: {  	_ =	swait.ge [sflag:s13], $0x6000  }
0x39d: {  	s1 =	sld [smem:$0x7F4]  }
0x39e: {  	[sflag:s13] =	ssyncset.done $0x0  }
0x39f: {  	[sflag:s13] =	ssyncadd.s32 $0xFFFFA000  }
0x3a0: {  	[hbm4b:s1+s2] =	stream.linear.scatter [tilespmem:s5], [sflag:$0x7], $0x6000, $0x38;
	[tilespmem:$0x1E000] =	vst v63  }
0x3a1: {  	_ =	swait.ge [sflag:s8], $0x6000  }
0x3a2: {  	s0 =	sld [smem:$0x7F5]  }
0x3a3: {  	[sflag:s8] =	ssyncset.done $0x0  }
0x3a4: {  	s1 =	sld [smem:$0x7F6];
	[sflag:s8] =	ssyncadd.s32 $0xFFFFA000  }
0x3a5: {  	[tilespmem:s9], [sflag:$0x3] =	stream.linear.gather [hbm4b:s0+s2], $0x6000, $0x38;
	[tilespmem:$0x1E000] =	vst v63  }
0x3a6: {  	_ = 	snop  }
0x3a7: {  	[tilespmem:s2], [sflag:$0x1] =	stream.linear.gather [hbm4b:s1+s2], $0x6000, $0x38;
	[tilespmem:$0x1E000] =	vst v63  }
0x3a8: {  	_ =	swait.ge [sflag:s26], $0x6000  }
0x3a9: {  	[sflag:s26] =	ssyncset.done $0x0  }
0x3aa: {  	[sflag:s26] =	ssyncadd.s32 $0xFFFFA000  }
0x3ab: {  	_ =	swait.ge [sflag:s20], $0x6000  }
0x3ac: {  	s1 =	sld [smem:$0x7F7]  }
0x3ad: {  	[sflag:s20] =	ssyncset.done $0x0  }
0x3ae: {  	[sflag:s20] =	ssyncadd.s32 $0xFFFFA000  }
0x3af: {  	[hbm4b:s1+s2] =	stream.linear.scatter [tilespmem:s30], [sflag:$0x8], $0x6000, $0x38;
	[tilespmem:$0x1E000] =	vst v63  }
0x3b0: {  	_ =	swait.ge [sflag:s6], $0x6000  }
0x3b1: {  	s1 =	sld [smem:$0x7F8]  }
0x3b2: {  	[sflag:s6] =	ssyncset.done $0x0  }
0x3b3: {  	[sflag:s6] =	ssyncadd.s32 $0xFFFFA000  }
0x3b4: {  	[tilespmem:s5], [sflag:$0x4] =	stream.linear.gather [hbm4b:s1+s2], $0x6000, $0x38;
	[tilespmem:$0x1E000] =	vst v63  }
0x3b5: {  	_ =	swait.ge [sflag:s12], $0x6000  }
0x3b6: {  	s1 =	sld [smem:$0x7F9]  }
0x3b7: {  	[sflag:s12] =	ssyncset.done $0x0  }
0x3b8: {  	[sflag:s12] =	ssyncadd.s32 $0xFFFFA000  }
0x3b9: {  	[hbm4b:s1+s2] =	stream.linear.scatter [tilespmem:s9], [sflag:$0x6], $0x6000, $0x38;
	[tilespmem:$0x1E000] =	vst v63  }
0x3ba: {  	_ =	swait.ge [sflag:s14], $0x6000  }
0x3bb: {  	s1 =	sld [smem:$0x7FA]  }
0x3bc: {  	[sflag:s14] =	ssyncset.done $0x0  }
0x3bd: {  	[sflag:s14] =	ssyncadd.s32 $0xFFFFA000  }
0x3be: {  	[tilespmem:s30], [sflag:$0x5] =	stream.linear.gather [hbm4b:s1+s2], $0x6000, $0x38;
	[tilespmem:$0x1E000] =	vst v63  }
0x3bf: {  	_ =	swait.ge [sflag:s13], $0x6000  }
0x3c0: {  	s1 =	sld [smem:$0x7FB]  }
0x3c1: {  	[sflag:s13] =	ssyncset.done $0x0  }
0x3c2: {  	[sflag:s13] =	ssyncadd.s32 $0xFFFFA000  }
0x3c3: {  	[hbm4b:s1+s2] =	stream.linear.scatter [tilespmem:s5], [sflag:$0x7], $0x6000, $0x38;
	[tilespmem:$0x1E000] =	vst v63  }
0x3c4: {  	_ =	swait.ge [sflag:s8], $0x6000  }
0x3c5: {  	s1 =	sld [smem:$0x7FC]  }
0x3c6: {  	[sflag:s8] =	ssyncset.done $0x0  }
0x3c7: {  	[sflag:s8] =	ssyncadd.s32 $0xFFFFA000  }
0x3c8: {  	[tilespmem:s9], [sflag:$0x3] =	stream.linear.gather [hbm4b:s1+s2], $0x6000, $0x38;
	[tilespmem:$0x1E000] =	vst v63  }
0x3c9: {  	_ =	swait.ge [sflag:s20], $0x6000  }
0x3ca: {  	s1 =	sld [smem:$0x7FD]  }
0x3cb: {  	[sflag:s20] =	ssyncset.done $0x0  }
0x3cc: {  	[sflag:s20] =	ssyncadd.s32 $0xFFFFA000  }
0x3cd: {  	[hbm4b:s1+s2] =	stream.linear.scatter [tilespmem:s30], [sflag:$0x8], $0x6000, $0x38;
	[tilespmem:$0x1E000] =	vst v63  }
0x3ce: {  	_ =	swait.ge [sflag:s6], $0x6000  }
0x3cf: {  	[sflag:s6] =	ssyncset.done $0x0  }
0x3d0: {  	[sflag:s6] =	ssyncadd.s32 $0xFFFFA000  }
0x3d1: {  	[tilespmem:s5], [sflag:$0x4] =	stream.linear.gather [hbm4b:s28+s2], $0x6000, $0x38;
	[tilespmem:$0x1E000] =	vst v63  }
0x3d2: {  	_ = 	snop  }
0x3d3: {  	[tilespmem:s29], [sflag:$0x2] =	stream.linear.gather [hbm4b:s17+s2], $0x6000, $0x38;
	[tilespmem:$0x1E000] =	vst v63  }
0x3d4: {  	_ =	swait.ge [sflag:s31], $0x6000  }
0x3d5: {  	[sflag:s31] =	ssyncset.done $0x0  }
0x3d6: {  	[sflag:s31] =	ssyncadd.s32 $0xFFFFA000  }
0x3d7: {  	_ =	swait.ge [sflag:s12], $0x6000  }
0x3d8: {  	[sflag:s12] =	ssyncset.done $0x0  }
0x3d9: {  	[sflag:s12] =	ssyncadd.s32 $0xFFFFA000  }
0x3da: {  	[hbm4b:s25+s2] =	stream.linear.scatter [tilespmem:s9], [sflag:$0x6], $0x6000, $0x38;
	[tilespmem:$0x1E000] =	vst v63  }
0x3db: {  	_ =	swait.ge [sflag:s14], $0x6000  }
0x3dc: {  	[sflag:s14] =	ssyncset.done $0x0  }
0x3dd: {  	[sflag:s14] =	ssyncadd.s32 $0xFFFFA000  }
0x3de: {  	[tilespmem:s30], [sflag:$0x5] =	stream.linear.gather [hbm4b:s24+s2], $0x6000, $0x38;
	[tilespmem:$0x1E000] =	vst v63  }
0x3df: {  	_ =	swait.ge [sflag:s13], $0x6000  }
0x3e0: {  	[sflag:s13] =	ssyncset.done $0x0  }
0x3e1: {  	[sflag:s13] =	ssyncadd.s32 $0xFFFFA000  }
0x3e2: {  	[hbm4b:s23+s2] =	stream.linear.scatter [tilespmem:s5], [sflag:$0x7], $0x6000, $0x38;
	[tilespmem:$0x1E000] =	vst v63  }
0x3e3: {  	_ =	swait.ge [sflag:s8], $0x6000  }
0x3e4: {  	[sflag:s8] =	ssyncset.done $0x0  }
0x3e5: {  	[sflag:s8] =	ssyncadd.s32 $0xFFFFA000  }
0x3e6: {  	[tilespmem:s9], [sflag:$0x3] =	stream.linear.gather [hbm4b:s22+s2], $0x6000, $0x38;
	[tilespmem:$0x1E000] =	vst v63  }
0x3e7: {  	_ =	swait.ge [sflag:s20], $0x6000  }
0x3e8: {  	[sflag:s20] =	ssyncset.done $0x0  }
0x3e9: {  	[sflag:s20] =	ssyncadd.s32 $0xFFFFA000  }
0x3ea: {  	[hbm4b:s21+s2] =	stream.linear.scatter [tilespmem:s30], [sflag:$0x8], $0x6000, $0x38;
	[tilespmem:$0x1E000] =	vst v63  }
0x3eb: {  	_ =	swait.ge [sflag:s6], $0x6000  }
0x3ec: {  	[sflag:s6] =	ssyncset.done $0x0  }
0x3ed: {  	[sflag:s6] =	ssyncadd.s32 $0xFFFFA000  }
0x3ee: {  	[tilespmem:s5], [sflag:$0x4] =	stream.linear.gather [hbm4b:s19+s2], $0x6000, $0x38;
	[tilespmem:$0x1E000] =	vst v63  }
0x3ef: {  	_ =	swait.ge [sflag:s12], $0x6000  }
0x3f0: {  	[sflag:s12] =	ssyncset.done $0x0  }
0x3f1: {  	[sflag:s12] =	ssyncadd.s32 $0xFFFFA000  }
0x3f2: {  	[hbm4b:s18+s2] =	stream.linear.scatter [tilespmem:s9], [sflag:$0x6], $0x6000, $0x38;
	[tilespmem:$0x1E000] =	vst v63  }
0x3f3: {  	_ =	swait.ge [sflag:s14], $0x6000  }
0x3f4: {  	[sflag:s14] =	ssyncset.done $0x0  }
0x3f5: {  	[sflag:s14] =	ssyncadd.s32 $0xFFFFA000  }
0x3f6: {  	[tilespmem:s30], [sflag:$0x5] =	stream.linear.gather [hbm4b:s16+s2], $0x6000, $0x38;
	[tilespmem:$0x1E000] =	vst v63  }
0x3f7: {  	_ =	swait.ge [sflag:s26], $0x6000  }
0x3f8: {  	[sflag:s26] =	ssyncset.done $0x0  }
0x3f9: {  	[sflag:s26] =	ssyncadd.s32 $0xFFFFA000  }
0x3fa: {  	_ =	swait.ge [sflag:s13], $0x6000  }
0x3fb: {  	[sflag:s13] =	ssyncset.done $0x0  }
0x3fc: {  	[sflag:s13] =	ssyncadd.s32 $0xFFFFA000  }
0x3fd: {  	[hbm4b:s15+s2] =	stream.linear.scatter [tilespmem:s5], [sflag:$0x7], $0x6000, $0x38;
	[tilespmem:$0x1E000] =	vst v63  }
0x3fe: {  	_ =	swait.ge [sflag:s8], $0x6000  }
0x3ff: {  	[sflag:s8] =	ssyncset.done $0x0  }
0x400: {  	[sflag:s8] =	ssyncadd.s32 $0xFFFFA000  }
0x401: {  	[tilespmem:s9], [sflag:$0x3] =	stream.linear.gather [hbm4b:s11+s2], $0x6000, $0x38;
	[tilespmem:$0x1E000] =	vst v63  }
0x402: {  	_ =	swait.ge [sflag:s20], $0x6000  }
0x403: {  	[sflag:s20] =	ssyncset.done $0x0  }
0x404: {  	[sflag:s20] =	ssyncadd.s32 $0xFFFFA000  }
0x405: {  	[hbm4b:s10+s2] =	stream.linear.scatter [tilespmem:s30], [sflag:$0x8], $0x6000, $0x38;
	[tilespmem:$0x1E000] =	vst v63  }
0x406: {  	_ =	swait.ge [sflag:s6], $0x6000  }
0x407: {  	[sflag:s6] =	ssyncset.done $0x0  }
0x408: {  	[sflag:s6] =	ssyncadd.s32 $0xFFFFA000  }
0x409: {  	[tilespmem:s5], [sflag:$0x4] =	stream.linear.gather [hbm4b:s7+s2], $0x6000, $0x38;
	[tilespmem:$0x1E000] =	vst v63  }
0x40a: {  	_ =	swait.ge [sflag:s12], $0x6000  }
0x40b: {  	[sflag:s12] =	ssyncset.done $0x0  }
0x40c: {  	[sflag:s12] =	ssyncadd.s32 $0xFFFFA000  }
0x40d: {  	[hbm4b:s4+s2] =	stream.linear.scatter [tilespmem:s9], [sflag:$0x6], $0x6000, $0x38;
	[tilespmem:$0x1E000] =	vst v63  }
0x40e: {  	_ =	swait.ge [sflag:s13], $0x6000  }
0x40f: {  	[sflag:s13] =	ssyncset.done $0x0  }
0x410: {  	[sflag:s13] =	ssyncadd.s32 $0xFFFFA000  }
0x411: {  	[hbm4b:s3+s2] =	stream.linear.scatter [tilespmem:s5], [sflag:$0x7], $0x6000, $0x38;
	[tilespmem:$0x1E000] =	vst v63  }
0x412: {  	_ =	swait.ge [sflag:s14], $0x6000  }
0x413: {  	[sflag:s14] =	ssyncset.done $0x0  }
0x414: {  	[sflag:s14] =	ssyncadd.s32 $0xFFFFA000  }
0x415: {  	_ =	swait.ge [sflag:s8], $0x6000  }
0x416: {  	[sflag:s8] =	ssyncset.done $0x0  }
0x417: {  	[sflag:s8] =	ssyncadd.s32 $0xFFFFA000  }
0x418: {  	_ =	swait.ge [sflag:s6], $0x6000  }
0x419: {  	[sflag:s6] =	ssyncset.done $0x0  }
0x41a: {  	[sflag:s6] =	ssyncadd.s32 $0xFFFFA000  }
0x41b: {  	_ =	sfence.sel $0x180000  }
0x41c: {  	[bflag:$0x0] =	sbarrier.arrive $0xFFFF  }
0x41d: {  	_ =	strace $0x90000047  }
0x41e: {  	s31 =	stileid.u32;
	[bflag:$0x2] =	sbarrier.arrive $0xFFFF  }
0x41f: {  	p0 =	sne.s32 s31, $0x0;
	s0 =	rddreg [dreg:$0x3]  }
0x420: {  	s0 =	sadd.s32 @!p0 $0x100000, s0  }
0x421: {  	[sflag:s0] =	ssyncadd.tile.s32 @!p0 $0x1;
	_ =	shalt  }
.Lfunc_end2:
_tile_overlayer_lowered:
.L_overlay_start_2:
0x422: {  	(tag) =	ssettag $0x2  }
0x423: {  	s0 =	rddreg [dreg:$0x0];
	s2 =	stileid.u32  }
0x424: {  	s1 =	rddreg [dreg:$0x1];
	p0 =	sne.s32 s2, $0x0  }
0x425: {  	s3 =	rddreg [dreg:$0x2];
	[bflag:$0x3] =	sbarrier.arrive $0xFFFF;
	s2 =	simm.s32 @!p0 $0x1C09  }
0x426: {  	[timem:s3], [sflag:s2] =	dma.local @!p0 [hbm:s0], s1  }
0x427: {  	s0 =	simm.s32 @!p0 $0x9  }
0x428: {  	_ =	swait.ge @!p0 [sflag:s0], s1  }
0x429: {  	s1 =	ssub.s32 @!p0 $0x0, s1;
	[sflag:s0] =	ssyncset.done @!p0 $0x0  }
0x42a: {  	[sflag:s0] =	ssyncadd.s32 @!p0 s1  }
0x42b: {  	[bflag:$0x3] =	sbarrier.arrive $0xFFFF  }
0x42c: {  	_ =	shalt  }

</sc_bundles>
